<compile_context>
chip_gen: v7x
topology: tpu7x:2x2x1
jax: 0.10.2.dev20260603
libtpu: 0.0.44.dev20260713+nightly
codegen_flags: <defaults>
</compile_context>

<pallas_src>
import functools

import jax
import jax.numpy as jnp
from jax import lax
from jax.experimental import pallas as pl
from jax.experimental.pallas import tpu as pltpu
from jax.experimental.pallas import tpu_sc as plsc

NC = 2
NS = 16
NW = NC * NS
LANES = 16

B, L = 4096, 200
N = B * L
DA, DM = 64, 16
DO = DA + 1 + DM + 1
DT = DO - DA

TOK_PER_W = N // NW
T = 512
CHUNKS = TOK_PER_W // T
NIDX = T // 128


def _body(x_hbm, act_hbm, mode_hbm, out_hbm,
          x_v, idxa_v, idxm_v, acts_v, modes_v, dm_v, sem):
  wid = lax.axis_index("s") * NC + lax.axis_index("c")
  tok0 = wid * TOK_PER_W

  iota = lax.iota(jnp.int32, LANES)
  iota4 = iota * 4
  c_dur = jnp.full((LANES,), 0, dtype=jnp.int32)
  c_dist = jnp.full((LANES,), DT - 1, dtype=jnp.int32)

  def chunk(i, carry):
    base = tok0 + i * T

    pltpu.sync_copy(x_hbm.at[pl.ds(base * 4, T * 4)], x_v)

    for j in range(T // LANES):
      xb = iota4 + (j * 4 * LANES)
      a_f = plsc.load_gather(x_v, [xb])
      d_f = plsc.load_gather(x_v, [xb + 1])
      m_f = plsc.load_gather(x_v, [xb + 2])
      s_f = plsc.load_gather(x_v, [xb + 3])
      row = jnp.full((LANES,), j // 8, dtype=jnp.int32)
      col = iota + ((j % 8) * LANES)
      plsc.store_scatter(idxa_v, [row, col], a_f.astype(jnp.int32))
      plsc.store_scatter(idxm_v, [row, col], m_f.astype(jnp.int32))
      tok = iota + (j * LANES)
      plsc.store_scatter(dm_v, [tok, c_dur], d_f)
      plsc.store_scatter(dm_v, [tok, c_dist], s_f)

    copies = []
    for j in range(NIDX):
      rows = pl.ds(j * 128, 128)
      copies.append(pltpu.async_copy(
          act_hbm.at[idxa_v.at[j]], acts_v.at[rows], sem))
      copies.append(pltpu.async_copy(
          mode_hbm.at[idxm_v.at[j]], modes_v.at[rows], sem))
    for c in copies:
      c.wait()

    def asm(t8, carry2):
      t0 = t8 * 8
      for k in range(8):
        rowt = jnp.full((LANES,), t0 + k, dtype=jnp.int32)
        m = plsc.load_gather(modes_v, [rowt, iota])
        plsc.store_scatter(dm_v, [rowt, iota + 1], m)
      return carry2

    lax.fori_loop(0, T // 8, asm, 0, unroll=False)

    rows_hbm = pl.ds(base, T)
    pltpu.sync_copy(acts_v, out_hbm.at[rows_hbm, pl.ds(0, DA)])
    pltpu.sync_copy(dm_v, out_hbm.at[rows_hbm, pl.ds(DA, DT)])
    return carry

  lax.fori_loop(0, CHUNKS, chunk, 0, unroll=False)


@jax.jit
def kernel(x, act_table, mode_table):
  mesh = plsc.VectorSubcoreMesh(
      core_axis_name="c", subcore_axis_name="s",
      num_cores=NC, num_subcores=NS)
  k = pl.kernel(
      _body,
      out_type=jax.ShapeDtypeStruct((N, DO), jnp.float32),
      mesh=mesh,
      scratch_types=[
          pltpu.VMEM((T * 4,), jnp.float32),
          pltpu.VMEM((NIDX, 128), jnp.int32),
          pltpu.VMEM((NIDX, 128), jnp.int32),
          pltpu.VMEM((T, DA), jnp.float32),
          pltpu.VMEM((T, DM), jnp.float32),
          pltpu.VMEM((T, DT), jnp.float32),
          pltpu.SemaphoreType.DMA,
      ],
      compiler_params=pltpu.CompilerParams(
          needs_layout_passes=False, use_tc_tiling_on_sc=False),
  )
  out = k(x.reshape(N * 4), act_table, mode_table)
  return out.reshape(B, L, DO)

# --- scband reference (transcript-rebuilt; emitter-appended) ---
"""Pipeline reference for scband-custom-duration-mode-distance-embedding-50672024158457 (READ-ONLY COPY).

The authoritative reference and input builder live on the scoring server;
editing this copy changes nothing except your own understanding.
"""

import jax, jax.numpy as jnp
import numpy as np


def setup_inputs(seed: int = 0) -> dict:
    key = jax.random.key(seed)
    k1, k2, k3 = jax.random.split(key, 3)
    # x packs [act_idx, duration, mode_idx, distance] in last dim; stored as float32
    x = jax.random.randint(k1, (4096, 200, 4), 0, 100000).astype(jnp.float32)
    act_table = jax.random.normal(k2, (100000, 64), dtype=jnp.float32)
    mode_table = jax.random.normal(k3, (100000, 16), dtype=jnp.float32)
    return {"x": x, "act_table": act_table, "mode_table": mode_table}


def reference(x, act_table, mode_table):
    # torch.split(x, [1,1,1,1], dim=-1)
    acts = x[..., 0:1]
    durations = x[..., 1:2]
    modes = x[..., 2:3]
    distances = x[..., 3:4]
    # embedding lookup (dropout is identity in eval mode)
    acts_e = jnp.take(act_table, acts.astype(jnp.int32), axis=0)   # [B, L, 1, 64]
    acts_e = jnp.squeeze(acts_e, axis=-2)                          # [B, L, 64]
    modes_e = jnp.take(mode_table, modes.astype(jnp.int32), axis=0)  # [B, L, 1, 16]
    modes_e = jnp.squeeze(modes_e, axis=-2)                          # [B, L, 16]
    embedded = jnp.concatenate((acts_e, durations, modes_e, distances), axis=-1)
    return embedded

if __name__ == "__main__":
    import jax
    _d = setup_inputs()
    print(jax.jit(kernel)(*tuple(_d.values())))

</pallas_src>

<mosaic_0001>
#map = affine_map<(d0, d1) -> (0)>
#map1 = affine_map<(d0, d1) -> (0, 0)>
module attributes {stable_mosaic.version = 14 : i64} {
  func.func @_body(%arg0: i32, %arg1: i32, %arg2: memref<3276800xf32, #tpu.memory_space<hbm>>, %arg3: memref<100000x64xf32, #tpu.memory_space<hbm>>, %arg4: memref<100000x16xf32, #tpu.memory_space<hbm>>, %arg5: memref<819200x82xf32, #tpu.memory_space<hbm>>, %arg6: memref<2048xf32, #tpu.memory_space<vmem>>, %arg7: memref<4x128xi32, #tpu.memory_space<vmem>>, %arg8: memref<4x128xi32, #tpu.memory_space<vmem>>, %arg9: memref<512x64xf32, #tpu.memory_space<vmem>>, %arg10: memref<512x16xf32, #tpu.memory_space<vmem>>, %arg11: memref<512x18xf32, #tpu.memory_space<vmem>>, %arg12: memref<!tpu.dma_semaphore, #tpu.memory_space<semaphore_mem>>) attributes {dimension_semantics = [#tpu.dimension_semantics<core_parallel>, #tpu.dimension_semantics<subcore_parallel>], iteration_bounds = array<i64: 2, 16>, scalar_prefetch = 0 : i64, scratch_operands = 7 : i64, tpu.core_type = #tpu.core_type<sc_vector_subcore>, window_params = [{transform_indices = #map}, {transform_indices = #map1}, {transform_indices = #map1}, {transform_indices = #map1}]} {
    %mul3A = arith.constant 2 : i32
    %mul3A_0 = arith.muli %arg1, %mul3A : i32
    %add3A = arith.addi %mul3A_0, %arg0 : i32
    %mul3A_1 = arith.constant 25600 : i32
    %mul3A_2 = arith.muli %add3A, %mul3A_1 : i32
    %iota3A = tpu.iota {dimensions = array<i32: 0>} : vector<16xi32>
    %mul3A_3 = arith.constant 4 : i32
    %mul3A_4 = vector.broadcast %mul3A_3 : i32 to vector<16xi32>
    %mul3A_5 = arith.muli %iota3A, %mul3A_4 : vector<16xi32>
    %broadcast_in_dim3A = arith.constant 0 : i32
    %broadcast_in_dim3A_6 = vector.broadcast %broadcast_in_dim3A : i32 to vector<16xi32>
    %broadcast_in_dim3A_7 = arith.constant 17 : i32
    %broadcast_in_dim3A_8 = vector.broadcast %broadcast_in_dim3A_7 : i32 to vector<16xi32>
    %scan3A = arith.constant 0 : i32
    %scan3A_9 = arith.constant 0 : i32
    %scan3A_10 = arith.constant 50 : i32
    %scan3A_11 = arith.addi %scan3A_9, %scan3A_10 : i32
    %scan3A_12 = arith.constant 1 : i32
    scf.for %scan3A_14 = %scan3A_9 to %scan3A_11 step %scan3A_12  : i32 {
      %mul3A_15 = arith.constant 512 : i32
      %mul3A_16 = arith.muli %scan3A_14, %mul3A_15 : i32
      %add3A_17 = arith.addi %mul3A_2, %mul3A_16 : i32
      %mul3A_18 = arith.constant 4 : i32
      %mul3A_19 = arith.muli %add3A_17, %mul3A_18 : i32
      "tpu.region"() ({
        %run_scoped3A = tpu.sem_alloc : memref<!tpu.dma_semaphore, #tpu.memory_space<semaphore_mem>>
        %dma_start3A_1014 = tpu.memref_slice %arg2[%mul3A_19] : memref<3276800xf32, #tpu.memory_space<hbm>> -> memref<2048xf32, #tpu.memory_space<hbm>>
        %dma_start3A_1015 = tpu.memref_slice %arg2[%mul3A_19] : memref<3276800xf32, #tpu.memory_space<hbm>> -> memref<2048xf32, #tpu.memory_space<hbm>>
        tpu.enqueue_dma source(%dma_start3A_1015 : memref<2048xf32, #tpu.memory_space<hbm>>) target(%arg6 : memref<2048xf32, #tpu.memory_space<vmem>>) target_semaphore(%run_scoped3A : memref<!tpu.dma_semaphore, #tpu.memory_space<semaphore_mem>>)
        %dma_wait3A_1016 = tpu.memref_slice %arg2[%mul3A_19] : memref<3276800xf32, #tpu.memory_space<hbm>> -> memref<2048xf32, #tpu.memory_space<hbm>>
        %dma_wait3A_1017 = tpu.memref_slice %arg2[%mul3A_19] : memref<3276800xf32, #tpu.memory_space<hbm>> -> memref<2048xf32, #tpu.memory_space<hbm>>
        tpu.wait_dma2 semaphore(%run_scoped3A : memref<!tpu.dma_semaphore, #tpu.memory_space<semaphore_mem>>) src(%dma_wait3A_1017 : memref<2048xf32, #tpu.memory_space<hbm>>) dst(%arg6 : memref<2048xf32, #tpu.memory_space<vmem>>)
        tpu.yield
      }) : () -> ()
      %add3A_20 = arith.constant 0 : i32
      %add3A_21 = vector.broadcast %add3A_20 : i32 to vector<16xi32>
      %add3A_22 = arith.addi %mul3A_5, %add3A_21 : vector<16xi32>
      %gather3A = tpu.vector_load_idx %arg6[%add3A_22] : memref<2048xf32, #tpu.memory_space<vmem>>[vector<16xi32>], vector<16xf32>,
      %add3A_23 = arith.constant 1 : i32
      %add3A_24 = vector.broadcast %add3A_23 : i32 to vector<16xi32>
      %add3A_25 = arith.addi %add3A_22, %add3A_24 : vector<16xi32>
      %gather3A_26 = tpu.vector_load_idx %arg6[%add3A_25] : memref<2048xf32, #tpu.memory_space<vmem>>[vector<16xi32>], vector<16xf32>,
      %add3A_27 = arith.constant 2 : i32
      %add3A_28 = vector.broadcast %add3A_27 : i32 to vector<16xi32>
      %add3A_29 = arith.addi %add3A_22, %add3A_28 : vector<16xi32>
      %gather3A_30 = tpu.vector_load_idx %arg6[%add3A_29] : memref<2048xf32, #tpu.memory_space<vmem>>[vector<16xi32>], vector<16xf32>,
      %add3A_31 = arith.constant 3 : i32
      %add3A_32 = vector.broadcast %add3A_31 : i32 to vector<16xi32>
      %add3A_33 = arith.addi %add3A_22, %add3A_32 : vector<16xi32>
      %gather3A_34 = tpu.vector_load_idx %arg6[%add3A_33] : memref<2048xf32, #tpu.memory_space<vmem>>[vector<16xi32>], vector<16xf32>,
      %broadcast_in_dim3A_35 = arith.constant 0 : i32
      %broadcast_in_dim3A_36 = vector.broadcast %broadcast_in_dim3A_35 : i32 to vector<16xi32>
      %add3A_37 = arith.constant 0 : i32
      %add3A_38 = vector.broadcast %add3A_37 : i32 to vector<16xi32>
      %add3A_39 = arith.addi %iota3A, %add3A_38 : vector<16xi32>
      %convert_element_type3A = arith.fptosi %gather3A : vector<16xf32> to vector<16xi32>
      tpu.vector_store_idx %arg7[%broadcast_in_dim3A_36, %add3A_39], %convert_element_type3A : memref<4x128xi32, #tpu.memory_space<vmem>>[vector<16xi32>, vector<16xi32>], vector<16xi32>,
      %convert_element_type3A_40 = arith.fptosi %gather3A_30 : vector<16xf32> to vector<16xi32>
      tpu.vector_store_idx %arg8[%broadcast_in_dim3A_36, %add3A_39], %convert_element_type3A_40 : memref<4x128xi32, #tpu.memory_space<vmem>>[vector<16xi32>, vector<16xi32>], vector<16xi32>,
      %add3A_41 = arith.constant 0 : i32
      %add3A_42 = vector.broadcast %add3A_41 : i32 to vector<16xi32>
      %add3A_43 = arith.addi %iota3A, %add3A_42 : vector<16xi32>
      tpu.vector_store_idx %arg11[%add3A_43, %broadcast_in_dim3A_6], %gather3A_26 : memref<512x18xf32, #tpu.memory_space<vmem>>[vector<16xi32>, vector<16xi32>], vector<16xf32>,
      tpu.vector_store_idx %arg11[%add3A_43, %broadcast_in_dim3A_8], %gather3A_34 : memref<512x18xf32, #tpu.memory_space<vmem>>[vector<16xi32>, vector<16xi32>], vector<16xf32>,
      %add3A_44 = arith.constant 64 : i32
      %add3A_45 = vector.broadcast %add3A_44 : i32 to vector<16xi32>
      %add3A_46 = arith.addi %mul3A_5, %add3A_45 : vector<16xi32>
      %gather3A_47 = tpu.vector_load_idx %arg6[%add3A_46] : memref<2048xf32, #tpu.memory_space<vmem>>[vector<16xi32>], vector<16xf32>,
      %add3A_48 = arith.constant 1 : i32
      %add3A_49 = vector.broadcast %add3A_48 : i32 to vector<16xi32>
      %add3A_50 = arith.addi %add3A_46, %add3A_49 : vector<16xi32>
      %gather3A_51 = tpu.vector_load_idx %arg6[%add3A_50] : memref<2048xf32, #tpu.memory_space<vmem>>[vector<16xi32>], vector<16xf32>,
      %add3A_52 = arith.constant 2 : i32
      %add3A_53 = vector.broadcast %add3A_52 : i32 to vector<16xi32>
      %add3A_54 = arith.addi %add3A_46, %add3A_53 : vector<16xi32>
      %gather3A_55 = tpu.vector_load_idx %arg6[%add3A_54] : memref<2048xf32, #tpu.memory_space<vmem>>[vector<16xi32>], vector<16xf32>,
      %add3A_56 = arith.constant 3 : i32
      %add3A_57 = vector.broadcast %add3A_56 : i32 to vector<16xi32>
      %add3A_58 = arith.addi %add3A_46, %add3A_57 : vector<16xi32>
      %gather3A_59 = tpu.vector_load_idx %arg6[%add3A_58] : memref<2048xf32, #tpu.memory_space<vmem>>[vector<16xi32>], vector<16xf32>,
      %broadcast_in_dim3A_60 = arith.constant 0 : i32
      %broadcast_in_dim3A_61 = vector.broadcast %broadcast_in_dim3A_60 : i32 to vector<16xi32>
      %add3A_62 = arith.constant 16 : i32
      %add3A_63 = vector.broadcast %add3A_62 : i32 to vector<16xi32>
      %add3A_64 = arith.addi %iota3A, %add3A_63 : vector<16xi32>
      %convert_element_type3A_65 = arith.fptosi %gather3A_47 : vector<16xf32> to vector<16xi32>
      tpu.vector_store_idx %arg7[%broadcast_in_dim3A_61, %add3A_64], %convert_element_type3A_65 : memref<4x128xi32, #tpu.memory_space<vmem>>[vector<16xi32>, vector<16xi32>], vector<16xi32>,
      %convert_element_type3A_66 = arith.fptosi %gather3A_55 : vector<16xf32> to vector<16xi32>
      tpu.vector_store_idx %arg8[%broadcast_in_dim3A_61, %add3A_64], %convert_element_type3A_66 : memref<4x128xi32, #tpu.memory_space<vmem>>[vector<16xi32>, vector<16xi32>], vector<16xi32>,
      %add3A_67 = arith.constant 16 : i32
      %add3A_68 = vector.broadcast %add3A_67 : i32 to vector<16xi32>
      %add3A_69 = arith.addi %iota3A, %add3A_68 : vector<16xi32>
      tpu.vector_store_idx %arg11[%add3A_69, %broadcast_in_dim3A_6], %gather3A_51 : memref<512x18xf32, #tpu.memory_space<vmem>>[vector<16xi32>, vector<16xi32>], vector<16xf32>,
      tpu.vector_store_idx %arg11[%add3A_69, %broadcast_in_dim3A_8], %gather3A_59 : memref<512x18xf32, #tpu.memory_space<vmem>>[vector<16xi32>, vector<16xi32>], vector<16xf32>,
      %add3A_70 = arith.constant 128 : i32
      %add3A_71 = vector.broadcast %add3A_70 : i32 to vector<16xi32>
      %add3A_72 = arith.addi %mul3A_5, %add3A_71 : vector<16xi32>
      %gather3A_73 = tpu.vector_load_idx %arg6[%add3A_72] : memref<2048xf32, #tpu.memory_space<vmem>>[vector<16xi32>], vector<16xf32>,
      %add3A_74 = arith.constant 1 : i32
      %add3A_75 = vector.broadcast %add3A_74 : i32 to vector<16xi32>
      %add3A_76 = arith.addi %add3A_72, %add3A_75 : vector<16xi32>
      %gather3A_77 = tpu.vector_load_idx %arg6[%add3A_76] : memref<2048xf32, #tpu.memory_space<vmem>>[vector<16xi32>], vector<16xf32>,
      %add3A_78 = arith.constant 2 : i32
      %add3A_79 = vector.broadcast %add3A_78 : i32 to vector<16xi32>
      %add3A_80 = arith.addi %add3A_72, %add3A_79 : vector<16xi32>
      %gather3A_81 = tpu.vector_load_idx %arg6[%add3A_80] : memref<2048xf32, #tpu.memory_space<vmem>>[vector<16xi32>], vector<16xf32>,
      %add3A_82 = arith.constant 3 : i32
      %add3A_83 = vector.broadcast %add3A_82 : i32 to vector<16xi32>
      %add3A_84 = arith.addi %add3A_72, %add3A_83 : vector<16xi32>
      %gather3A_85 = tpu.vector_load_idx %arg6[%add3A_84] : memref<2048xf32, #tpu.memory_space<vmem>>[vector<16xi32>], vector<16xf32>,
      %broadcast_in_dim3A_86 = arith.constant 0 : i32
      %broadcast_in_dim3A_87 = vector.broadcast %broadcast_in_dim3A_86 : i32 to vector<16xi32>
      %add3A_88 = arith.constant 32 : i32
      %add3A_89 = vector.broadcast %add3A_88 : i32 to vector<16xi32>
      %add3A_90 = arith.addi %iota3A, %add3A_89 : vector<16xi32>
      %convert_element_type3A_91 = arith.fptosi %gather3A_73 : vector<16xf32> to vector<16xi32>
      tpu.vector_store_idx %arg7[%broadcast_in_dim3A_87, %add3A_90], %convert_element_type3A_91 : memref<4x128xi32, #tpu.memory_space<vmem>>[vector<16xi32>, vector<16xi32>], vector<16xi32>,
      %convert_element_type3A_92 = arith.fptosi %gather3A_81 : vector<16xf32> to vector<16xi32>
      tpu.vector_store_idx %arg8[%broadcast_in_dim3A_87, %add3A_90], %convert_element_type3A_92 : memref<4x128xi32, #tpu.memory_space<vmem>>[vector<16xi32>, vector<16xi32>], vector<16xi32>,
      %add3A_93 = arith.constant 32 : i32
      %add3A_94 = vector.broadcast %add3A_93 : i32 to vector<16xi32>
      %add3A_95 = arith.addi %iota3A, %add3A_94 : vector<16xi32>
      tpu.vector_store_idx %arg11[%add3A_95, %broadcast_in_dim3A_6], %gather3A_77 : memref<512x18xf32, #tpu.memory_space<vmem>>[vector<16xi32>, vector<16xi32>], vector<16xf32>,
      tpu.vector_store_idx %arg11[%add3A_95, %broadcast_in_dim3A_8], %gather3A_85 : memref<512x18xf32, #tpu.memory_space<vmem>>[vector<16xi32>, vector<16xi32>], vector<16xf32>,
      %add3A_96 = arith.constant 192 : i32
      %add3A_97 = vector.broadcast %add3A_96 : i32 to vector<16xi32>
      %add3A_98 = arith.addi %mul3A_5, %add3A_97 : vector<16xi32>
      %gather3A_99 = tpu.vector_load_idx %arg6[%add3A_98] : memref<2048xf32, #tpu.memory_space<vmem>>[vector<16xi32>], vector<16xf32>,
      %add3A_100 = arith.constant 1 : i32
      %add3A_101 = vector.broadcast %add3A_100 : i32 to vector<16xi32>
      %add3A_102 = arith.addi %add3A_98, %add3A_101 : vector<16xi32>
      %gather3A_103 = tpu.vector_load_idx %arg6[%add3A_102] : memref<2048xf32, #tpu.memory_space<vmem>>[vector<16xi32>], vector<16xf32>,
      %add3A_104 = arith.constant 2 : i32
      %add3A_105 = vector.broadcast %add3A_104 : i32 to vector<16xi32>
      %add3A_106 = arith.addi %add3A_98, %add3A_105 : vector<16xi32>
      %gather3A_107 = tpu.vector_load_idx %arg6[%add3A_106] : memref<2048xf32, #tpu.memory_space<vmem>>[vector<16xi32>], vector<16xf32>,
      %add3A_108 = arith.constant 3 : i32
      %add3A_109 = vector.broadcast %add3A_108 : i32 to vector<16xi32>
      %add3A_110 = arith.addi %add3A_98, %add3A_109 : vector<16xi32>
      %gather3A_111 = tpu.vector_load_idx %arg6[%add3A_110] : memref<2048xf32, #tpu.memory_space<vmem>>[vector<16xi32>], vector<16xf32>,
      %broadcast_in_dim3A_112 = arith.constant 0 : i32
      %broadcast_in_dim3A_113 = vector.broadcast %broadcast_in_dim3A_112 : i32 to vector<16xi32>
      %add3A_114 = arith.constant 48 : i32
      %add3A_115 = vector.broadcast %add3A_114 : i32 to vector<16xi32>
      %add3A_116 = arith.addi %iota3A, %add3A_115 : vector<16xi32>
      %convert_element_type3A_117 = arith.fptosi %gather3A_99 : vector<16xf32> to vector<16xi32>
      tpu.vector_store_idx %arg7[%broadcast_in_dim3A_113, %add3A_116], %convert_element_type3A_117 : memref<4x128xi32, #tpu.memory_space<vmem>>[vector<16xi32>, vector<16xi32>], vector<16xi32>,
      %convert_element_type3A_118 = arith.fptosi %gather3A_107 : vector<16xf32> to vector<16xi32>
      tpu.vector_store_idx %arg8[%broadcast_in_dim3A_113, %add3A_116], %convert_element_type3A_118 : memref<4x128xi32, #tpu.memory_space<vmem>>[vector<16xi32>, vector<16xi32>], vector<16xi32>,
      %add3A_119 = arith.constant 48 : i32
      %add3A_120 = vector.broadcast %add3A_119 : i32 to vector<16xi32>
      %add3A_121 = arith.addi %iota3A, %add3A_120 : vector<16xi32>
      tpu.vector_store_idx %arg11[%add3A_121, %broadcast_in_dim3A_6], %gather3A_103 : memref<512x18xf32, #tpu.memory_space<vmem>>[vector<16xi32>, vector<16xi32>], vector<16xf32>,
      tpu.vector_store_idx %arg11[%add3A_121, %broadcast_in_dim3A_8], %gather3A_111 : memref<512x18xf32, #tpu.memory_space<vmem>>[vector<16xi32>, vector<16xi32>], vector<16xf32>,
      %add3A_122 = arith.constant 256 : i32
      %add3A_123 = vector.broadcast %add3A_122 : i32 to vector<16xi32>
      %add3A_124 = arith.addi %mul3A_5, %add3A_123 : vector<16xi32>
      %gather3A_125 = tpu.vector_load_idx %arg6[%add3A_124] : memref<2048xf32, #tpu.memory_space<vmem>>[vector<16xi32>], vector<16xf32>,
      %add3A_126 = arith.constant 1 : i32
      %add3A_127 = vector.broadcast %add3A_126 : i32 to vector<16xi32>
      %add3A_128 = arith.addi %add3A_124, %add3A_127 : vector<16xi32>
      %gather3A_129 = tpu.vector_load_idx %arg6[%add3A_128] : memref<2048xf32, #tpu.memory_space<vmem>>[vector<16xi32>], vector<16xf32>,
      %add3A_130 = arith.constant 2 : i32
      %add3A_131 = vector.broadcast %add3A_130 : i32 to vector<16xi32>
      %add3A_132 = arith.addi %add3A_124, %add3A_131 : vector<16xi32>
      %gather3A_133 = tpu.vector_load_idx %arg6[%add3A_132] : memref<2048xf32, #tpu.memory_space<vmem>>[vector<16xi32>], vector<16xf32>,
      %add3A_134 = arith.constant 3 : i32
      %add3A_135 = vector.broadcast %add3A_134 : i32 to vector<16xi32>
      %add3A_136 = arith.addi %add3A_124, %add3A_135 : vector<16xi32>
      %gather3A_137 = tpu.vector_load_idx %arg6[%add3A_136] : memref<2048xf32, #tpu.memory_space<vmem>>[vector<16xi32>], vector<16xf32>,
      %broadcast_in_dim3A_138 = arith.constant 0 : i32
      %broadcast_in_dim3A_139 = vector.broadcast %broadcast_in_dim3A_138 : i32 to vector<16xi32>
      %add3A_140 = arith.constant 64 : i32
      %add3A_141 = vector.broadcast %add3A_140 : i32 to vector<16xi32>
      %add3A_142 = arith.addi %iota3A, %add3A_141 : vector<16xi32>
      %convert_element_type3A_143 = arith.fptosi %gather3A_125 : vector<16xf32> to vector<16xi32>
      tpu.vector_store_idx %arg7[%broadcast_in_dim3A_139, %add3A_142], %convert_element_type3A_143 : memref<4x128xi32, #tpu.memory_space<vmem>>[vector<16xi32>, vector<16xi32>], vector<16xi32>,
      %convert_element_type3A_144 = arith.fptosi %gather3A_133 : vector<16xf32> to vector<16xi32>
      tpu.vector_store_idx %arg8[%broadcast_in_dim3A_139, %add3A_142], %convert_element_type3A_144 : memref<4x128xi32, #tpu.memory_space<vmem>>[vector<16xi32>, vector<16xi32>], vector<16xi32>,
      %add3A_145 = arith.constant 64 : i32
      %add3A_146 = vector.broadcast %add3A_145 : i32 to vector<16xi32>
      %add3A_147 = arith.addi %iota3A, %add3A_146 : vector<16xi32>
      tpu.vector_store_idx %arg11[%add3A_147, %broadcast_in_dim3A_6], %gather3A_129 : memref<512x18xf32, #tpu.memory_space<vmem>>[vector<16xi32>, vector<16xi32>], vector<16xf32>,
      tpu.vector_store_idx %arg11[%add3A_147, %broadcast_in_dim3A_8], %gather3A_137 : memref<512x18xf32, #tpu.memory_space<vmem>>[vector<16xi32>, vector<16xi32>], vector<16xf32>,
      %add3A_148 = arith.constant 320 : i32
      %add3A_149 = vector.broadcast %add3A_148 : i32 to vector<16xi32>
      %add3A_150 = arith.addi %mul3A_5, %add3A_149 : vector<16xi32>
      %gather3A_151 = tpu.vector_load_idx %arg6[%add3A_150] : memref<2048xf32, #tpu.memory_space<vmem>>[vector<16xi32>], vector<16xf32>,
      %add3A_152 = arith.constant 1 : i32
      %add3A_153 = vector.broadcast %add3A_152 : i32 to vector<16xi32>
      %add3A_154 = arith.addi %add3A_150, %add3A_153 : vector<16xi32>
      %gather3A_155 = tpu.vector_load_idx %arg6[%add3A_154] : memref<2048xf32, #tpu.memory_space<vmem>>[vector<16xi32>], vector<16xf32>,
      %add3A_156 = arith.constant 2 : i32
      %add3A_157 = vector.broadcast %add3A_156 : i32 to vector<16xi32>
      %add3A_158 = arith.addi %add3A_150, %add3A_157 : vector<16xi32>
      %gather3A_159 = tpu.vector_load_idx %arg6[%add3A_158] : memref<2048xf32, #tpu.memory_space<vmem>>[vector<16xi32>], vector<16xf32>,
      %add3A_160 = arith.constant 3 : i32
      %add3A_161 = vector.broadcast %add3A_160 : i32 to vector<16xi32>
      %add3A_162 = arith.addi %add3A_150, %add3A_161 : vector<16xi32>
      %gather3A_163 = tpu.vector_load_idx %arg6[%add3A_162] : memref<2048xf32, #tpu.memory_space<vmem>>[vector<16xi32>], vector<16xf32>,
      %broadcast_in_dim3A_164 = arith.constant 0 : i32
      %broadcast_in_dim3A_165 = vector.broadcast %broadcast_in_dim3A_164 : i32 to vector<16xi32>
      %add3A_166 = arith.constant 80 : i32
      %add3A_167 = vector.broadcast %add3A_166 : i32 to vector<16xi32>
      %add3A_168 = arith.addi %iota3A, %add3A_167 : vector<16xi32>
      %convert_element_type3A_169 = arith.fptosi %gather3A_151 : vector<16xf32> to vector<16xi32>
      tpu.vector_store_idx %arg7[%broadcast_in_dim3A_165, %add3A_168], %convert_element_type3A_169 : memref<4x128xi32, #tpu.memory_space<vmem>>[vector<16xi32>, vector<16xi32>], vector<16xi32>,
      %convert_element_type3A_170 = arith.fptosi %gather3A_159 : vector<16xf32> to vector<16xi32>
      tpu.vector_store_idx %arg8[%broadcast_in_dim3A_165, %add3A_168], %convert_element_type3A_170 : memref<4x128xi32, #tpu.memory_space<vmem>>[vector<16xi32>, vector<16xi32>], vector<16xi32>,
      %add3A_171 = arith.constant 80 : i32
      %add3A_172 = vector.broadcast %add3A_171 : i32 to vector<16xi32>
      %add3A_173 = arith.addi %iota3A, %add3A_172 : vector<16xi32>
      tpu.vector_store_idx %arg11[%add3A_173, %broadcast_in_dim3A_6], %gather3A_155 : memref<512x18xf32, #tpu.memory_space<vmem>>[vector<16xi32>, vector<16xi32>], vector<16xf32>,
      tpu.vector_store_idx %arg11[%add3A_173, %broadcast_in_dim3A_8], %gather3A_163 : memref<512x18xf32, #tpu.memory_space<vmem>>[vector<16xi32>, vector<16xi32>], vector<16xf32>,
      %add3A_174 = arith.constant 384 : i32
      %add3A_175 = vector.broadcast %add3A_174 : i32 to vector<16xi32>
      %add3A_176 = arith.addi %mul3A_5, %add3A_175 : vector<16xi32>
      %gather3A_177 = tpu.vector_load_idx %arg6[%add3A_176] : memref<2048xf32, #tpu.memory_space<vmem>>[vector<16xi32>], vector<16xf32>,
      %add3A_178 = arith.constant 1 : i32
      %add3A_179 = vector.broadcast %add3A_178 : i32 to vector<16xi32>
      %add3A_180 = arith.addi %add3A_176, %add3A_179 : vector<16xi32>
      %gather3A_181 = tpu.vector_load_idx %arg6[%add3A_180] : memref<2048xf32, #tpu.memory_space<vmem>>[vector<16xi32>], vector<16xf32>,
      %add3A_182 = arith.constant 2 : i32
      %add3A_183 = vector.broadcast %add3A_182 : i32 to vector<16xi32>
      %add3A_184 = arith.addi %add3A_176, %add3A_183 : vector<16xi32>
      %gather3A_185 = tpu.vector_load_idx %arg6[%add3A_184] : memref<2048xf32, #tpu.memory_space<vmem>>[vector<16xi32>], vector<16xf32>,
      %add3A_186 = arith.constant 3 : i32
      %add3A_187 = vector.broadcast %add3A_186 : i32 to vector<16xi32>
      %add3A_188 = arith.addi %add3A_176, %add3A_187 : vector<16xi32>
      %gather3A_189 = tpu.vector_load_idx %arg6[%add3A_188] : memref<2048xf32, #tpu.memory_space<vmem>>[vector<16xi32>], vector<16xf32>,
      %broadcast_in_dim3A_190 = arith.constant 0 : i32
      %broadcast_in_dim3A_191 = vector.broadcast %broadcast_in_dim3A_190 : i32 to vector<16xi32>
      %add3A_192 = arith.constant 96 : i32
      %add3A_193 = vector.broadcast %add3A_192 : i32 to vector<16xi32>
      %add3A_194 = arith.addi %iota3A, %add3A_193 : vector<16xi32>
      %convert_element_type3A_195 = arith.fptosi %gather3A_177 : vector<16xf32> to vector<16xi32>
      tpu.vector_store_idx %arg7[%broadcast_in_dim3A_191, %add3A_194], %convert_element_type3A_195 : memref<4x128xi32, #tpu.memory_space<vmem>>[vector<16xi32>, vector<16xi32>], vector<16xi32>,
      %convert_element_type3A_196 = arith.fptosi %gather3A_185 : vector<16xf32> to vector<16xi32>
      tpu.vector_store_idx %arg8[%broadcast_in_dim3A_191, %add3A_194], %convert_element_type3A_196 : memref<4x128xi32, #tpu.memory_space<vmem>>[vector<16xi32>, vector<16xi32>], vector<16xi32>,
      %add3A_197 = arith.constant 96 : i32
      %add3A_198 = vector.broadcast %add3A_197 : i32 to vector<16xi32>
      %add3A_199 = arith.addi %iota3A, %add3A_198 : vector<16xi32>
      tpu.vector_store_idx %arg11[%add3A_199, %broadcast_in_dim3A_6], %gather3A_181 : memref<512x18xf32, #tpu.memory_space<vmem>>[vector<16xi32>, vector<16xi32>], vector<16xf32>,
      tpu.vector_store_idx %arg11[%add3A_199, %broadcast_in_dim3A_8], %gather3A_189 : memref<512x18xf32, #tpu.memory_space<vmem>>[vector<16xi32>, vector<16xi32>], vector<16xf32>,
      %add3A_200 = arith.constant 448 : i32
      %add3A_201 = vector.broadcast %add3A_200 : i32 to vector<16xi32>
      %add3A_202 = arith.addi %mul3A_5, %add3A_201 : vector<16xi32>
      %gather3A_203 = tpu.vector_load_idx %arg6[%add3A_202] : memref<2048xf32, #tpu.memory_space<vmem>>[vector<16xi32>], vector<16xf32>,
      %add3A_204 = arith.constant 1 : i32
      %add3A_205 = vector.broadcast %add3A_204 : i32 to vector<16xi32>
      %add3A_206 = arith.addi %add3A_202, %add3A_205 : vector<16xi32>
      %gather3A_207 = tpu.vector_load_idx %arg6[%add3A_206] : memref<2048xf32, #tpu.memory_space<vmem>>[vector<16xi32>], vector<16xf32>,
      %add3A_208 = arith.constant 2 : i32
      %add3A_209 = vector.broadcast %add3A_208 : i32 to vector<16xi32>
      %add3A_210 = arith.addi %add3A_202, %add3A_209 : vector<16xi32>
      %gather3A_211 = tpu.vector_load_idx %arg6[%add3A_210] : memref<2048xf32, #tpu.memory_space<vmem>>[vector<16xi32>], vector<16xf32>,
      %add3A_212 = arith.constant 3 : i32
      %add3A_213 = vector.broadcast %add3A_212 : i32 to vector<16xi32>
      %add3A_214 = arith.addi %add3A_202, %add3A_213 : vector<16xi32>
      %gather3A_215 = tpu.vector_load_idx %arg6[%add3A_214] : memref<2048xf32, #tpu.memory_space<vmem>>[vector<16xi32>], vector<16xf32>,
      %broadcast_in_dim3A_216 = arith.constant 0 : i32
      %broadcast_in_dim3A_217 = vector.broadcast %broadcast_in_dim3A_216 : i32 to vector<16xi32>
      %add3A_218 = arith.constant 112 : i32
      %add3A_219 = vector.broadcast %add3A_218 : i32 to vector<16xi32>
      %add3A_220 = arith.addi %iota3A, %add3A_219 : vector<16xi32>
      %convert_element_type3A_221 = arith.fptosi %gather3A_203 : vector<16xf32> to vector<16xi32>
      tpu.vector_store_idx %arg7[%broadcast_in_dim3A_217, %add3A_220], %convert_element_type3A_221 : memref<4x128xi32, #tpu.memory_space<vmem>>[vector<16xi32>, vector<16xi32>], vector<16xi32>,
      %convert_element_type3A_222 = arith.fptosi %gather3A_211 : vector<16xf32> to vector<16xi32>
      tpu.vector_store_idx %arg8[%broadcast_in_dim3A_217, %add3A_220], %convert_element_type3A_222 : memref<4x128xi32, #tpu.memory_space<vmem>>[vector<16xi32>, vector<16xi32>], vector<16xi32>,
      %add3A_223 = arith.constant 112 : i32
      %add3A_224 = vector.broadcast %add3A_223 : i32 to vector<16xi32>
      %add3A_225 = arith.addi %iota3A, %add3A_224 : vector<16xi32>
      tpu.vector_store_idx %arg11[%add3A_225, %broadcast_in_dim3A_6], %gather3A_207 : memref<512x18xf32, #tpu.memory_space<vmem>>[vector<16xi32>, vector<16xi32>], vector<16xf32>,
      tpu.vector_store_idx %arg11[%add3A_225, %broadcast_in_dim3A_8], %gather3A_215 : memref<512x18xf32, #tpu.memory_space<vmem>>[vector<16xi32>, vector<16xi32>], vector<16xf32>,
      %add3A_226 = arith.constant 512 : i32
      %add3A_227 = vector.broadcast %add3A_226 : i32 to vector<16xi32>
      %add3A_228 = arith.addi %mul3A_5, %add3A_227 : vector<16xi32>
      %gather3A_229 = tpu.vector_load_idx %arg6[%add3A_228] : memref<2048xf32, #tpu.memory_space<vmem>>[vector<16xi32>], vector<16xf32>,
      %add3A_230 = arith.constant 1 : i32
      %add3A_231 = vector.broadcast %add3A_230 : i32 to vector<16xi32>
      %add3A_232 = arith.addi %add3A_228, %add3A_231 : vector<16xi32>
      %gather3A_233 = tpu.vector_load_idx %arg6[%add3A_232] : memref<2048xf32, #tpu.memory_space<vmem>>[vector<16xi32>], vector<16xf32>,
      %add3A_234 = arith.constant 2 : i32
      %add3A_235 = vector.broadcast %add3A_234 : i32 to vector<16xi32>
      %add3A_236 = arith.addi %add3A_228, %add3A_235 : vector<16xi32>
      %gather3A_237 = tpu.vector_load_idx %arg6[%add3A_236] : memref<2048xf32, #tpu.memory_space<vmem>>[vector<16xi32>], vector<16xf32>,
      %add3A_238 = arith.constant 3 : i32
      %add3A_239 = vector.broadcast %add3A_238 : i32 to vector<16xi32>
      %add3A_240 = arith.addi %add3A_228, %add3A_239 : vector<16xi32>
      %gather3A_241 = tpu.vector_load_idx %arg6[%add3A_240] : memref<2048xf32, #tpu.memory_space<vmem>>[vector<16xi32>], vector<16xf32>,
      %broadcast_in_dim3A_242 = arith.constant 1 : i32
      %broadcast_in_dim3A_243 = vector.broadcast %broadcast_in_dim3A_242 : i32 to vector<16xi32>
      %add3A_244 = arith.constant 0 : i32
      %add3A_245 = vector.broadcast %add3A_244 : i32 to vector<16xi32>
      %add3A_246 = arith.addi %iota3A, %add3A_245 : vector<16xi32>
      %convert_element_type3A_247 = arith.fptosi %gather3A_229 : vector<16xf32> to vector<16xi32>
      tpu.vector_store_idx %arg7[%broadcast_in_dim3A_243, %add3A_246], %convert_element_type3A_247 : memref<4x128xi32, #tpu.memory_space<vmem>>[vector<16xi32>, vector<16xi32>], vector<16xi32>,
      %convert_element_type3A_248 = arith.fptosi %gather3A_237 : vector<16xf32> to vector<16xi32>
      tpu.vector_store_idx %arg8[%broadcast_in_dim3A_243, %add3A_246], %convert_element_type3A_248 : memref<4x128xi32, #tpu.memory_space<vmem>>[vector<16xi32>, vector<16xi32>], vector<16xi32>,
      %add3A_249 = arith.constant 128 : i32
      %add3A_250 = vector.broadcast %add3A_249 : i32 to vector<16xi32>
      %add3A_251 = arith.addi %iota3A, %add3A_250 : vector<16xi32>
      tpu.vector_store_idx %arg11[%add3A_251, %broadcast_in_dim3A_6], %gather3A_233 : memref<512x18xf32, #tpu.memory_space<vmem>>[vector<16xi32>, vector<16xi32>], vector<16xf32>,
      tpu.vector_store_idx %arg11[%add3A_251, %broadcast_in_dim3A_8], %gather3A_241 : memref<512x18xf32, #tpu.memory_space<vmem>>[vector<16xi32>, vector<16xi32>], vector<16xf32>,
      %add3A_252 = arith.constant 576 : i32
      %add3A_253 = vector.broadcast %add3A_252 : i32 to vector<16xi32>
      %add3A_254 = arith.addi %mul3A_5, %add3A_253 : vector<16xi32>
      %gather3A_255 = tpu.vector_load_idx %arg6[%add3A_254] : memref<2048xf32, #tpu.memory_space<vmem>>[vector<16xi32>], vector<16xf32>,
      %add3A_256 = arith.constant 1 : i32
      %add3A_257 = vector.broadcast %add3A_256 : i32 to vector<16xi32>
      %add3A_258 = arith.addi %add3A_254, %add3A_257 : vector<16xi32>
      %gather3A_259 = tpu.vector_load_idx %arg6[%add3A_258] : memref<2048xf32, #tpu.memory_space<vmem>>[vector<16xi32>], vector<16xf32>,
      %add3A_260 = arith.constant 2 : i32
      %add3A_261 = vector.broadcast %add3A_260 : i32 to vector<16xi32>
      %add3A_262 = arith.addi %add3A_254, %add3A_261 : vector<16xi32>
      %gather3A_263 = tpu.vector_load_idx %arg6[%add3A_262] : memref<2048xf32, #tpu.memory_space<vmem>>[vector<16xi32>], vector<16xf32>,
      %add3A_264 = arith.constant 3 : i32
      %add3A_265 = vector.broadcast %add3A_264 : i32 to vector<16xi32>
      %add3A_266 = arith.addi %add3A_254, %add3A_265 : vector<16xi32>
      %gather3A_267 = tpu.vector_load_idx %arg6[%add3A_266] : memref<2048xf32, #tpu.memory_space<vmem>>[vector<16xi32>], vector<16xf32>,
      %broadcast_in_dim3A_268 = arith.constant 1 : i32
      %broadcast_in_dim3A_269 = vector.broadcast %broadcast_in_dim3A_268 : i32 to vector<16xi32>
      %add3A_270 = arith.constant 16 : i32
      %add3A_271 = vector.broadcast %add3A_270 : i32 to vector<16xi32>
      %add3A_272 = arith.addi %iota3A, %add3A_271 : vector<16xi32>
      %convert_element_type3A_273 = arith.fptosi %gather3A_255 : vector<16xf32> to vector<16xi32>
      tpu.vector_store_idx %arg7[%broadcast_in_dim3A_269, %add3A_272], %convert_element_type3A_273 : memref<4x128xi32, #tpu.memory_space<vmem>>[vector<16xi32>, vector<16xi32>], vector<16xi32>,
      %convert_element_type3A_274 = arith.fptosi %gather3A_263 : vector<16xf32> to vector<16xi32>
      tpu.vector_store_idx %arg8[%broadcast_in_dim3A_269, %add3A_272], %convert_element_type3A_274 : memref<4x128xi32, #tpu.memory_space<vmem>>[vector<16xi32>, vector<16xi32>], vector<16xi32>,
      %add3A_275 = arith.constant 144 : i32
      %add3A_276 = vector.broadcast %add3A_275 : i32 to vector<16xi32>
      %add3A_277 = arith.addi %iota3A, %add3A_276 : vector<16xi32>
      tpu.vector_store_idx %arg11[%add3A_277, %broadcast_in_dim3A_6], %gather3A_259 : memref<512x18xf32, #tpu.memory_space<vmem>>[vector<16xi32>, vector<16xi32>], vector<16xf32>,
      tpu.vector_store_idx %arg11[%add3A_277, %broadcast_in_dim3A_8], %gather3A_267 : memref<512x18xf32, #tpu.memory_space<vmem>>[vector<16xi32>, vector<16xi32>], vector<16xf32>,
      %add3A_278 = arith.constant 640 : i32
      %add3A_279 = vector.broadcast %add3A_278 : i32 to vector<16xi32>
      %add3A_280 = arith.addi %mul3A_5, %add3A_279 : vector<16xi32>
      %gather3A_281 = tpu.vector_load_idx %arg6[%add3A_280] : memref<2048xf32, #tpu.memory_space<vmem>>[vector<16xi32>], vector<16xf32>,
      %add3A_282 = arith.constant 1 : i32
      %add3A_283 = vector.broadcast %add3A_282 : i32 to vector<16xi32>
      %add3A_284 = arith.addi %add3A_280, %add3A_283 : vector<16xi32>
      %gather3A_285 = tpu.vector_load_idx %arg6[%add3A_284] : memref<2048xf32, #tpu.memory_space<vmem>>[vector<16xi32>], vector<16xf32>,
      %add3A_286 = arith.constant 2 : i32
      %add3A_287 = vector.broadcast %add3A_286 : i32 to vector<16xi32>
      %add3A_288 = arith.addi %add3A_280, %add3A_287 : vector<16xi32>
      %gather3A_289 = tpu.vector_load_idx %arg6[%add3A_288] : memref<2048xf32, #tpu.memory_space<vmem>>[vector<16xi32>], vector<16xf32>,
      %add3A_290 = arith.constant 3 : i32
      %add3A_291 = vector.broadcast %add3A_290 : i32 to vector<16xi32>
      %add3A_292 = arith.addi %add3A_280, %add3A_291 : vector<16xi32>
      %gather3A_293 = tpu.vector_load_idx %arg6[%add3A_292] : memref<2048xf32, #tpu.memory_space<vmem>>[vector<16xi32>], vector<16xf32>,
      %broadcast_in_dim3A_294 = arith.constant 1 : i32
      %broadcast_in_dim3A_295 = vector.broadcast %broadcast_in_dim3A_294 : i32 to vector<16xi32>
      %add3A_296 = arith.constant 32 : i32
      %add3A_297 = vector.broadcast %add3A_296 : i32 to vector<16xi32>
      %add3A_298 = arith.addi %iota3A, %add3A_297 : vector<16xi32>
      %convert_element_type3A_299 = arith.fptosi %gather3A_281 : vector<16xf32> to vector<16xi32>
      tpu.vector_store_idx %arg7[%broadcast_in_dim3A_295, %add3A_298], %convert_element_type3A_299 : memref<4x128xi32, #tpu.memory_space<vmem>>[vector<16xi32>, vector<16xi32>], vector<16xi32>,
      %convert_element_type3A_300 = arith.fptosi %gather3A_289 : vector<16xf32> to vector<16xi32>
      tpu.vector_store_idx %arg8[%broadcast_in_dim3A_295, %add3A_298], %convert_element_type3A_300 : memref<4x128xi32, #tpu.memory_space<vmem>>[vector<16xi32>, vector<16xi32>], vector<16xi32>,
      %add3A_301 = arith.constant 160 : i32
      %add3A_302 = vector.broadcast %add3A_301 : i32 to vector<16xi32>
      %add3A_303 = arith.addi %iota3A, %add3A_302 : vector<16xi32>
      tpu.vector_store_idx %arg11[%add3A_303, %broadcast_in_dim3A_6], %gather3A_285 : memref<512x18xf32, #tpu.memory_space<vmem>>[vector<16xi32>, vector<16xi32>], vector<16xf32>,
      tpu.vector_store_idx %arg11[%add3A_303, %broadcast_in_dim3A_8], %gather3A_293 : memref<512x18xf32, #tpu.memory_space<vmem>>[vector<16xi32>, vector<16xi32>], vector<16xf32>,
      %add3A_304 = arith.constant 704 : i32
      %add3A_305 = vector.broadcast %add3A_304 : i32 to vector<16xi32>
      %add3A_306 = arith.addi %mul3A_5, %add3A_305 : vector<16xi32>
      %gather3A_307 = tpu.vector_load_idx %arg6[%add3A_306] : memref<2048xf32, #tpu.memory_space<vmem>>[vector<16xi32>], vector<16xf32>,
      %add3A_308 = arith.constant 1 : i32
      %add3A_309 = vector.broadcast %add3A_308 : i32 to vector<16xi32>
      %add3A_310 = arith.addi %add3A_306, %add3A_309 : vector<16xi32>
      %gather3A_311 = tpu.vector_load_idx %arg6[%add3A_310] : memref<2048xf32, #tpu.memory_space<vmem>>[vector<16xi32>], vector<16xf32>,
      %add3A_312 = arith.constant 2 : i32
      %add3A_313 = vector.broadcast %add3A_312 : i32 to vector<16xi32>
      %add3A_314 = arith.addi %add3A_306, %add3A_313 : vector<16xi32>
      %gather3A_315 = tpu.vector_load_idx %arg6[%add3A_314] : memref<2048xf32, #tpu.memory_space<vmem>>[vector<16xi32>], vector<16xf32>,
      %add3A_316 = arith.constant 3 : i32
      %add3A_317 = vector.broadcast %add3A_316 : i32 to vector<16xi32>
      %add3A_318 = arith.addi %add3A_306, %add3A_317 : vector<16xi32>
      %gather3A_319 = tpu.vector_load_idx %arg6[%add3A_318] : memref<2048xf32, #tpu.memory_space<vmem>>[vector<16xi32>], vector<16xf32>,
      %broadcast_in_dim3A_320 = arith.constant 1 : i32
      %broadcast_in_dim3A_321 = vector.broadcast %broadcast_in_dim3A_320 : i32 to vector<16xi32>
      %add3A_322 = arith.constant 48 : i32
      %add3A_323 = vector.broadcast %add3A_322 : i32 to vector<16xi32>
      %add3A_324 = arith.addi %iota3A, %add3A_323 : vector<16xi32>
      %convert_element_type3A_325 = arith.fptosi %gather3A_307 : vector<16xf32> to vector<16xi32>
      tpu.vector_store_idx %arg7[%broadcast_in_dim3A_321, %add3A_324], %convert_element_type3A_325 : memref<4x128xi32, #tpu.memory_space<vmem>>[vector<16xi32>, vector<16xi32>], vector<16xi32>,
      %convert_element_type3A_326 = arith.fptosi %gather3A_315 : vector<16xf32> to vector<16xi32>
      tpu.vector_store_idx %arg8[%broadcast_in_dim3A_321, %add3A_324], %convert_element_type3A_326 : memref<4x128xi32, #tpu.memory_space<vmem>>[vector<16xi32>, vector<16xi32>], vector<16xi32>,
      %add3A_327 = arith.constant 176 : i32
      %add3A_328 = vector.broadcast %add3A_327 : i32 to vector<16xi32>
      %add3A_329 = arith.addi %iota3A, %add3A_328 : vector<16xi32>
      tpu.vector_store_idx %arg11[%add3A_329, %broadcast_in_dim3A_6], %gather3A_311 : memref<512x18xf32, #tpu.memory_space<vmem>>[vector<16xi32>, vector<16xi32>], vector<16xf32>,
      tpu.vector_store_idx %arg11[%add3A_329, %broadcast_in_dim3A_8], %gather3A_319 : memref<512x18xf32, #tpu.memory_space<vmem>>[vector<16xi32>, vector<16xi32>], vector<16xf32>,
      %add3A_330 = arith.constant 768 : i32
      %add3A_331 = vector.broadcast %add3A_330 : i32 to vector<16xi32>
      %add3A_332 = arith.addi %mul3A_5, %add3A_331 : vector<16xi32>
      %gather3A_333 = tpu.vector_load_idx %arg6[%add3A_332] : memref<2048xf32, #tpu.memory_space<vmem>>[vector<16xi32>], vector<16xf32>,
      %add3A_334 = arith.constant 1 : i32
      %add3A_335 = vector.broadcast %add3A_334 : i32 to vector<16xi32>
      %add3A_336 = arith.addi %add3A_332, %add3A_335 : vector<16xi32>
      %gather3A_337 = tpu.vector_load_idx %arg6[%add3A_336] : memref<2048xf32, #tpu.memory_space<vmem>>[vector<16xi32>], vector<16xf32>,
      %add3A_338 = arith.constant 2 : i32
      %add3A_339 = vector.broadcast %add3A_338 : i32 to vector<16xi32>
      %add3A_340 = arith.addi %add3A_332, %add3A_339 : vector<16xi32>
      %gather3A_341 = tpu.vector_load_idx %arg6[%add3A_340] : memref<2048xf32, #tpu.memory_space<vmem>>[vector<16xi32>], vector<16xf32>,
      %add3A_342 = arith.constant 3 : i32
      %add3A_343 = vector.broadcast %add3A_342 : i32 to vector<16xi32>
      %add3A_344 = arith.addi %add3A_332, %add3A_343 : vector<16xi32>
      %gather3A_345 = tpu.vector_load_idx %arg6[%add3A_344] : memref<2048xf32, #tpu.memory_space<vmem>>[vector<16xi32>], vector<16xf32>,
      %broadcast_in_dim3A_346 = arith.constant 1 : i32
      %broadcast_in_dim3A_347 = vector.broadcast %broadcast_in_dim3A_346 : i32 to vector<16xi32>
      %add3A_348 = arith.constant 64 : i32
      %add3A_349 = vector.broadcast %add3A_348 : i32 to vector<16xi32>
      %add3A_350 = arith.addi %iota3A, %add3A_349 : vector<16xi32>
      %convert_element_type3A_351 = arith.fptosi %gather3A_333 : vector<16xf32> to vector<16xi32>
      tpu.vector_store_idx %arg7[%broadcast_in_dim3A_347, %add3A_350], %convert_element_type3A_351 : memref<4x128xi32, #tpu.memory_space<vmem>>[vector<16xi32>, vector<16xi32>], vector<16xi32>,
      %convert_element_type3A_352 = arith.fptosi %gather3A_341 : vector<16xf32> to vector<16xi32>
      tpu.vector_store_idx %arg8[%broadcast_in_dim3A_347, %add3A_350], %convert_element_type3A_352 : memref<4x128xi32, #tpu.memory_space<vmem>>[vector<16xi32>, vector<16xi32>], vector<16xi32>,
      %add3A_353 = arith.constant 192 : i32
      %add3A_354 = vector.broadcast %add3A_353 : i32 to vector<16xi32>
      %add3A_355 = arith.addi %iota3A, %add3A_354 : vector<16xi32>
      tpu.vector_store_idx %arg11[%add3A_355, %broadcast_in_dim3A_6], %gather3A_337 : memref<512x18xf32, #tpu.memory_space<vmem>>[vector<16xi32>, vector<16xi32>], vector<16xf32>,
      tpu.vector_store_idx %arg11[%add3A_355, %broadcast_in_dim3A_8], %gather3A_345 : memref<512x18xf32, #tpu.memory_space<vmem>>[vector<16xi32>, vector<16xi32>], vector<16xf32>,
      %add3A_356 = arith.constant 832 : i32
      %add3A_357 = vector.broadcast %add3A_356 : i32 to vector<16xi32>
      %add3A_358 = arith.addi %mul3A_5, %add3A_357 : vector<16xi32>
      %gather3A_359 = tpu.vector_load_idx %arg6[%add3A_358] : memref<2048xf32, #tpu.memory_space<vmem>>[vector<16xi32>], vector<16xf32>,
      %add3A_360 = arith.constant 1 : i32
      %add3A_361 = vector.broadcast %add3A_360 : i32 to vector<16xi32>
      %add3A_362 = arith.addi %add3A_358, %add3A_361 : vector<16xi32>
      %gather3A_363 = tpu.vector_load_idx %arg6[%add3A_362] : memref<2048xf32, #tpu.memory_space<vmem>>[vector<16xi32>], vector<16xf32>,
      %add3A_364 = arith.constant 2 : i32
      %add3A_365 = vector.broadcast %add3A_364 : i32 to vector<16xi32>
      %add3A_366 = arith.addi %add3A_358, %add3A_365 : vector<16xi32>
      %gather3A_367 = tpu.vector_load_idx %arg6[%add3A_366] : memref<2048xf32, #tpu.memory_space<vmem>>[vector<16xi32>], vector<16xf32>,
      %add3A_368 = arith.constant 3 : i32
      %add3A_369 = vector.broadcast %add3A_368 : i32 to vector<16xi32>
      %add3A_370 = arith.addi %add3A_358, %add3A_369 : vector<16xi32>
      %gather3A_371 = tpu.vector_load_idx %arg6[%add3A_370] : memref<2048xf32, #tpu.memory_space<vmem>>[vector<16xi32>], vector<16xf32>,
      %broadcast_in_dim3A_372 = arith.constant 1 : i32
      %broadcast_in_dim3A_373 = vector.broadcast %broadcast_in_dim3A_372 : i32 to vector<16xi32>
      %add3A_374 = arith.constant 80 : i32
      %add3A_375 = vector.broadcast %add3A_374 : i32 to vector<16xi32>
      %add3A_376 = arith.addi %iota3A, %add3A_375 : vector<16xi32>
      %convert_element_type3A_377 = arith.fptosi %gather3A_359 : vector<16xf32> to vector<16xi32>
      tpu.vector_store_idx %arg7[%broadcast_in_dim3A_373, %add3A_376], %convert_element_type3A_377 : memref<4x128xi32, #tpu.memory_space<vmem>>[vector<16xi32>, vector<16xi32>], vector<16xi32>,
      %convert_element_type3A_378 = arith.fptosi %gather3A_367 : vector<16xf32> to vector<16xi32>
      tpu.vector_store_idx %arg8[%broadcast_in_dim3A_373, %add3A_376], %convert_element_type3A_378 : memref<4x128xi32, #tpu.memory_space<vmem>>[vector<16xi32>, vector<16xi32>], vector<16xi32>,
      %add3A_379 = arith.constant 208 : i32
      %add3A_380 = vector.broadcast %add3A_379 : i32 to vector<16xi32>
      %add3A_381 = arith.addi %iota3A, %add3A_380 : vector<16xi32>
      tpu.vector_store_idx %arg11[%add3A_381, %broadcast_in_dim3A_6], %gather3A_363 : memref<512x18xf32, #tpu.memory_space<vmem>>[vector<16xi32>, vector<16xi32>], vector<16xf32>,
      tpu.vector_store_idx %arg11[%add3A_381, %broadcast_in_dim3A_8], %gather3A_371 : memref<512x18xf32, #tpu.memory_space<vmem>>[vector<16xi32>, vector<16xi32>], vector<16xf32>,
      %add3A_382 = arith.constant 896 : i32
      %add3A_383 = vector.broadcast %add3A_382 : i32 to vector<16xi32>
      %add3A_384 = arith.addi %mul3A_5, %add3A_383 : vector<16xi32>
      %gather3A_385 = tpu.vector_load_idx %arg6[%add3A_384] : memref<2048xf32, #tpu.memory_space<vmem>>[vector<16xi32>], vector<16xf32>,
      %add3A_386 = arith.constant 1 : i32
      %add3A_387 = vector.broadcast %add3A_386 : i32 to vector<16xi32>
      %add3A_388 = arith.addi %add3A_384, %add3A_387 : vector<16xi32>
      %gather3A_389 = tpu.vector_load_idx %arg6[%add3A_388] : memref<2048xf32, #tpu.memory_space<vmem>>[vector<16xi32>], vector<16xf32>,
      %add3A_390 = arith.constant 2 : i32
      %add3A_391 = vector.broadcast %add3A_390 : i32 to vector<16xi32>
      %add3A_392 = arith.addi %add3A_384, %add3A_391 : vector<16xi32>
      %gather3A_393 = tpu.vector_load_idx %arg6[%add3A_392] : memref<2048xf32, #tpu.memory_space<vmem>>[vector<16xi32>], vector<16xf32>,
      %add3A_394 = arith.constant 3 : i32
      %add3A_395 = vector.broadcast %add3A_394 : i32 to vector<16xi32>
      %add3A_396 = arith.addi %add3A_384, %add3A_395 : vector<16xi32>
      %gather3A_397 = tpu.vector_load_idx %arg6[%add3A_396] : memref<2048xf32, #tpu.memory_space<vmem>>[vector<16xi32>], vector<16xf32>,
      %broadcast_in_dim3A_398 = arith.constant 1 : i32
      %broadcast_in_dim3A_399 = vector.broadcast %broadcast_in_dim3A_398 : i32 to vector<16xi32>
      %add3A_400 = arith.constant 96 : i32
      %add3A_401 = vector.broadcast %add3A_400 : i32 to vector<16xi32>
      %add3A_402 = arith.addi %iota3A, %add3A_401 : vector<16xi32>
      %convert_element_type3A_403 = arith.fptosi %gather3A_385 : vector<16xf32> to vector<16xi32>
      tpu.vector_store_idx %arg7[%broadcast_in_dim3A_399, %add3A_402], %convert_element_type3A_403 : memref<4x128xi32, #tpu.memory_space<vmem>>[vector<16xi32>, vector<16xi32>], vector<16xi32>,
      %convert_element_type3A_404 = arith.fptosi %gather3A_393 : vector<16xf32> to vector<16xi32>
      tpu.vector_store_idx %arg8[%broadcast_in_dim3A_399, %add3A_402], %convert_element_type3A_404 : memref<4x128xi32, #tpu.memory_space<vmem>>[vector<16xi32>, vector<16xi32>], vector<16xi32>,
      %add3A_405 = arith.constant 224 : i32
      %add3A_406 = vector.broadcast %add3A_405 : i32 to vector<16xi32>
      %add3A_407 = arith.addi %iota3A, %add3A_406 : vector<16xi32>
      tpu.vector_store_idx %arg11[%add3A_407, %broadcast_in_dim3A_6], %gather3A_389 : memref<512x18xf32, #tpu.memory_space<vmem>>[vector<16xi32>, vector<16xi32>], vector<16xf32>,
      tpu.vector_store_idx %arg11[%add3A_407, %broadcast_in_dim3A_8], %gather3A_397 : memref<512x18xf32, #tpu.memory_space<vmem>>[vector<16xi32>, vector<16xi32>], vector<16xf32>,
      %add3A_408 = arith.constant 960 : i32
      %add3A_409 = vector.broadcast %add3A_408 : i32 to vector<16xi32>
      %add3A_410 = arith.addi %mul3A_5, %add3A_409 : vector<16xi32>
      %gather3A_411 = tpu.vector_load_idx %arg6[%add3A_410] : memref<2048xf32, #tpu.memory_space<vmem>>[vector<16xi32>], vector<16xf32>,
      %add3A_412 = arith.constant 1 : i32
      %add3A_413 = vector.broadcast %add3A_412 : i32 to vector<16xi32>
      %add3A_414 = arith.addi %add3A_410, %add3A_413 : vector<16xi32>
      %gather3A_415 = tpu.vector_load_idx %arg6[%add3A_414] : memref<2048xf32, #tpu.memory_space<vmem>>[vector<16xi32>], vector<16xf32>,
      %add3A_416 = arith.constant 2 : i32
      %add3A_417 = vector.broadcast %add3A_416 : i32 to vector<16xi32>
      %add3A_418 = arith.addi %add3A_410, %add3A_417 : vector<16xi32>
      %gather3A_419 = tpu.vector_load_idx %arg6[%add3A_418] : memref<2048xf32, #tpu.memory_space<vmem>>[vector<16xi32>], vector<16xf32>,
      %add3A_420 = arith.constant 3 : i32
      %add3A_421 = vector.broadcast %add3A_420 : i32 to vector<16xi32>
      %add3A_422 = arith.addi %add3A_410, %add3A_421 : vector<16xi32>
      %gather3A_423 = tpu.vector_load_idx %arg6[%add3A_422] : memref<2048xf32, #tpu.memory_space<vmem>>[vector<16xi32>], vector<16xf32>,
      %broadcast_in_dim3A_424 = arith.constant 1 : i32
      %broadcast_in_dim3A_425 = vector.broadcast %broadcast_in_dim3A_424 : i32 to vector<16xi32>
      %add3A_426 = arith.constant 112 : i32
      %add3A_427 = vector.broadcast %add3A_426 : i32 to vector<16xi32>
      %add3A_428 = arith.addi %iota3A, %add3A_427 : vector<16xi32>
      %convert_element_type3A_429 = arith.fptosi %gather3A_411 : vector<16xf32> to vector<16xi32>
      tpu.vector_store_idx %arg7[%broadcast_in_dim3A_425, %add3A_428], %convert_element_type3A_429 : memref<4x128xi32, #tpu.memory_space<vmem>>[vector<16xi32>, vector<16xi32>], vector<16xi32>,
      %convert_element_type3A_430 = arith.fptosi %gather3A_419 : vector<16xf32> to vector<16xi32>
      tpu.vector_store_idx %arg8[%broadcast_in_dim3A_425, %add3A_428], %convert_element_type3A_430 : memref<4x128xi32, #tpu.memory_space<vmem>>[vector<16xi32>, vector<16xi32>], vector<16xi32>,
      %add3A_431 = arith.constant 240 : i32
      %add3A_432 = vector.broadcast %add3A_431 : i32 to vector<16xi32>
      %add3A_433 = arith.addi %iota3A, %add3A_432 : vector<16xi32>
      tpu.vector_store_idx %arg11[%add3A_433, %broadcast_in_dim3A_6], %gather3A_415 : memref<512x18xf32, #tpu.memory_space<vmem>>[vector<16xi32>, vector<16xi32>], vector<16xf32>,
      tpu.vector_store_idx %arg11[%add3A_433, %broadcast_in_dim3A_8], %gather3A_423 : memref<512x18xf32, #tpu.memory_space<vmem>>[vector<16xi32>, vector<16xi32>], vector<16xf32>,
      %add3A_434 = arith.constant 1024 : i32
      %add3A_435 = vector.broadcast %add3A_434 : i32 to vector<16xi32>
      %add3A_436 = arith.addi %mul3A_5, %add3A_435 : vector<16xi32>
      %gather3A_437 = tpu.vector_load_idx %arg6[%add3A_436] : memref<2048xf32, #tpu.memory_space<vmem>>[vector<16xi32>], vector<16xf32>,
      %add3A_438 = arith.constant 1 : i32
      %add3A_439 = vector.broadcast %add3A_438 : i32 to vector<16xi32>
      %add3A_440 = arith.addi %add3A_436, %add3A_439 : vector<16xi32>
      %gather3A_441 = tpu.vector_load_idx %arg6[%add3A_440] : memref<2048xf32, #tpu.memory_space<vmem>>[vector<16xi32>], vector<16xf32>,
      %add3A_442 = arith.constant 2 : i32
      %add3A_443 = vector.broadcast %add3A_442 : i32 to vector<16xi32>
      %add3A_444 = arith.addi %add3A_436, %add3A_443 : vector<16xi32>
      %gather3A_445 = tpu.vector_load_idx %arg6[%add3A_444] : memref<2048xf32, #tpu.memory_space<vmem>>[vector<16xi32>], vector<16xf32>,
      %add3A_446 = arith.constant 3 : i32
      %add3A_447 = vector.broadcast %add3A_446 : i32 to vector<16xi32>
      %add3A_448 = arith.addi %add3A_436, %add3A_447 : vector<16xi32>
      %gather3A_449 = tpu.vector_load_idx %arg6[%add3A_448] : memref<2048xf32, #tpu.memory_space<vmem>>[vector<16xi32>], vector<16xf32>,
      %broadcast_in_dim3A_450 = arith.constant 2 : i32
      %broadcast_in_dim3A_451 = vector.broadcast %broadcast_in_dim3A_450 : i32 to vector<16xi32>
      %add3A_452 = arith.constant 0 : i32
      %add3A_453 = vector.broadcast %add3A_452 : i32 to vector<16xi32>
      %add3A_454 = arith.addi %iota3A, %add3A_453 : vector<16xi32>
      %convert_element_type3A_455 = arith.fptosi %gather3A_437 : vector<16xf32> to vector<16xi32>
      tpu.vector_store_idx %arg7[%broadcast_in_dim3A_451, %add3A_454], %convert_element_type3A_455 : memref<4x128xi32, #tpu.memory_space<vmem>>[vector<16xi32>, vector<16xi32>], vector<16xi32>,
      %convert_element_type3A_456 = arith.fptosi %gather3A_445 : vector<16xf32> to vector<16xi32>
      tpu.vector_store_idx %arg8[%broadcast_in_dim3A_451, %add3A_454], %convert_element_type3A_456 : memref<4x128xi32, #tpu.memory_space<vmem>>[vector<16xi32>, vector<16xi32>], vector<16xi32>,
      %add3A_457 = arith.constant 256 : i32
      %add3A_458 = vector.broadcast %add3A_457 : i32 to vector<16xi32>
      %add3A_459 = arith.addi %iota3A, %add3A_458 : vector<16xi32>
      tpu.vector_store_idx %arg11[%add3A_459, %broadcast_in_dim3A_6], %gather3A_441 : memref<512x18xf32, #tpu.memory_space<vmem>>[vector<16xi32>, vector<16xi32>], vector<16xf32>,
      tpu.vector_store_idx %arg11[%add3A_459, %broadcast_in_dim3A_8], %gather3A_449 : memref<512x18xf32, #tpu.memory_space<vmem>>[vector<16xi32>, vector<16xi32>], vector<16xf32>,
      %add3A_460 = arith.constant 1088 : i32
      %add3A_461 = vector.broadcast %add3A_460 : i32 to vector<16xi32>
      %add3A_462 = arith.addi %mul3A_5, %add3A_461 : vector<16xi32>
      %gather3A_463 = tpu.vector_load_idx %arg6[%add3A_462] : memref<2048xf32, #tpu.memory_space<vmem>>[vector<16xi32>], vector<16xf32>,
      %add3A_464 = arith.constant 1 : i32
      %add3A_465 = vector.broadcast %add3A_464 : i32 to vector<16xi32>
      %add3A_466 = arith.addi %add3A_462, %add3A_465 : vector<16xi32>
      %gather3A_467 = tpu.vector_load_idx %arg6[%add3A_466] : memref<2048xf32, #tpu.memory_space<vmem>>[vector<16xi32>], vector<16xf32>,
      %add3A_468 = arith.constant 2 : i32
      %add3A_469 = vector.broadcast %add3A_468 : i32 to vector<16xi32>
      %add3A_470 = arith.addi %add3A_462, %add3A_469 : vector<16xi32>
      %gather3A_471 = tpu.vector_load_idx %arg6[%add3A_470] : memref<2048xf32, #tpu.memory_space<vmem>>[vector<16xi32>], vector<16xf32>,
      %add3A_472 = arith.constant 3 : i32
      %add3A_473 = vector.broadcast %add3A_472 : i32 to vector<16xi32>
      %add3A_474 = arith.addi %add3A_462, %add3A_473 : vector<16xi32>
      %gather3A_475 = tpu.vector_load_idx %arg6[%add3A_474] : memref<2048xf32, #tpu.memory_space<vmem>>[vector<16xi32>], vector<16xf32>,
      %broadcast_in_dim3A_476 = arith.constant 2 : i32
      %broadcast_in_dim3A_477 = vector.broadcast %broadcast_in_dim3A_476 : i32 to vector<16xi32>
      %add3A_478 = arith.constant 16 : i32
      %add3A_479 = vector.broadcast %add3A_478 : i32 to vector<16xi32>
      %add3A_480 = arith.addi %iota3A, %add3A_479 : vector<16xi32>
      %convert_element_type3A_481 = arith.fptosi %gather3A_463 : vector<16xf32> to vector<16xi32>
      tpu.vector_store_idx %arg7[%broadcast_in_dim3A_477, %add3A_480], %convert_element_type3A_481 : memref<4x128xi32, #tpu.memory_space<vmem>>[vector<16xi32>, vector<16xi32>], vector<16xi32>,
      %convert_element_type3A_482 = arith.fptosi %gather3A_471 : vector<16xf32> to vector<16xi32>
      tpu.vector_store_idx %arg8[%broadcast_in_dim3A_477, %add3A_480], %convert_element_type3A_482 : memref<4x128xi32, #tpu.memory_space<vmem>>[vector<16xi32>, vector<16xi32>], vector<16xi32>,
      %add3A_483 = arith.constant 272 : i32
      %add3A_484 = vector.broadcast %add3A_483 : i32 to vector<16xi32>
      %add3A_485 = arith.addi %iota3A, %add3A_484 : vector<16xi32>
      tpu.vector_store_idx %arg11[%add3A_485, %broadcast_in_dim3A_6], %gather3A_467 : memref<512x18xf32, #tpu.memory_space<vmem>>[vector<16xi32>, vector<16xi32>], vector<16xf32>,
      tpu.vector_store_idx %arg11[%add3A_485, %broadcast_in_dim3A_8], %gather3A_475 : memref<512x18xf32, #tpu.memory_space<vmem>>[vector<16xi32>, vector<16xi32>], vector<16xf32>,
      %add3A_486 = arith.constant 1152 : i32
      %add3A_487 = vector.broadcast %add3A_486 : i32 to vector<16xi32>
      %add3A_488 = arith.addi %mul3A_5, %add3A_487 : vector<16xi32>
      %gather3A_489 = tpu.vector_load_idx %arg6[%add3A_488] : memref<2048xf32, #tpu.memory_space<vmem>>[vector<16xi32>], vector<16xf32>,
      %add3A_490 = arith.constant 1 : i32
      %add3A_491 = vector.broadcast %add3A_490 : i32 to vector<16xi32>
      %add3A_492 = arith.addi %add3A_488, %add3A_491 : vector<16xi32>
      %gather3A_493 = tpu.vector_load_idx %arg6[%add3A_492] : memref<2048xf32, #tpu.memory_space<vmem>>[vector<16xi32>], vector<16xf32>,
      %add3A_494 = arith.constant 2 : i32
      %add3A_495 = vector.broadcast %add3A_494 : i32 to vector<16xi32>
      %add3A_496 = arith.addi %add3A_488, %add3A_495 : vector<16xi32>
      %gather3A_497 = tpu.vector_load_idx %arg6[%add3A_496] : memref<2048xf32, #tpu.memory_space<vmem>>[vector<16xi32>], vector<16xf32>,
      %add3A_498 = arith.constant 3 : i32
      %add3A_499 = vector.broadcast %add3A_498 : i32 to vector<16xi32>
      %add3A_500 = arith.addi %add3A_488, %add3A_499 : vector<16xi32>
      %gather3A_501 = tpu.vector_load_idx %arg6[%add3A_500] : memref<2048xf32, #tpu.memory_space<vmem>>[vector<16xi32>], vector<16xf32>,
      %broadcast_in_dim3A_502 = arith.constant 2 : i32
      %broadcast_in_dim3A_503 = vector.broadcast %broadcast_in_dim3A_502 : i32 to vector<16xi32>
      %add3A_504 = arith.constant 32 : i32
      %add3A_505 = vector.broadcast %add3A_504 : i32 to vector<16xi32>
      %add3A_506 = arith.addi %iota3A, %add3A_505 : vector<16xi32>
      %convert_element_type3A_507 = arith.fptosi %gather3A_489 : vector<16xf32> to vector<16xi32>
      tpu.vector_store_idx %arg7[%broadcast_in_dim3A_503, %add3A_506], %convert_element_type3A_507 : memref<4x128xi32, #tpu.memory_space<vmem>>[vector<16xi32>, vector<16xi32>], vector<16xi32>,
      %convert_element_type3A_508 = arith.fptosi %gather3A_497 : vector<16xf32> to vector<16xi32>
      tpu.vector_store_idx %arg8[%broadcast_in_dim3A_503, %add3A_506], %convert_element_type3A_508 : memref<4x128xi32, #tpu.memory_space<vmem>>[vector<16xi32>, vector<16xi32>], vector<16xi32>,
      %add3A_509 = arith.constant 288 : i32
      %add3A_510 = vector.broadcast %add3A_509 : i32 to vector<16xi32>
      %add3A_511 = arith.addi %iota3A, %add3A_510 : vector<16xi32>
      tpu.vector_store_idx %arg11[%add3A_511, %broadcast_in_dim3A_6], %gather3A_493 : memref<512x18xf32, #tpu.memory_space<vmem>>[vector<16xi32>, vector<16xi32>], vector<16xf32>,
      tpu.vector_store_idx %arg11[%add3A_511, %broadcast_in_dim3A_8], %gather3A_501 : memref<512x18xf32, #tpu.memory_space<vmem>>[vector<16xi32>, vector<16xi32>], vector<16xf32>,
      %add3A_512 = arith.constant 1216 : i32
      %add3A_513 = vector.broadcast %add3A_512 : i32 to vector<16xi32>
      %add3A_514 = arith.addi %mul3A_5, %add3A_513 : vector<16xi32>
      %gather3A_515 = tpu.vector_load_idx %arg6[%add3A_514] : memref<2048xf32, #tpu.memory_space<vmem>>[vector<16xi32>], vector<16xf32>,
      %add3A_516 = arith.constant 1 : i32
      %add3A_517 = vector.broadcast %add3A_516 : i32 to vector<16xi32>
      %add3A_518 = arith.addi %add3A_514, %add3A_517 : vector<16xi32>
      %gather3A_519 = tpu.vector_load_idx %arg6[%add3A_518] : memref<2048xf32, #tpu.memory_space<vmem>>[vector<16xi32>], vector<16xf32>,
      %add3A_520 = arith.constant 2 : i32
      %add3A_521 = vector.broadcast %add3A_520 : i32 to vector<16xi32>
      %add3A_522 = arith.addi %add3A_514, %add3A_521 : vector<16xi32>
      %gather3A_523 = tpu.vector_load_idx %arg6[%add3A_522] : memref<2048xf32, #tpu.memory_space<vmem>>[vector<16xi32>], vector<16xf32>,
      %add3A_524 = arith.constant 3 : i32
      %add3A_525 = vector.broadcast %add3A_524 : i32 to vector<16xi32>
      %add3A_526 = arith.addi %add3A_514, %add3A_525 : vector<16xi32>
      %gather3A_527 = tpu.vector_load_idx %arg6[%add3A_526] : memref<2048xf32, #tpu.memory_space<vmem>>[vector<16xi32>], vector<16xf32>,
      %broadcast_in_dim3A_528 = arith.constant 2 : i32
      %broadcast_in_dim3A_529 = vector.broadcast %broadcast_in_dim3A_528 : i32 to vector<16xi32>
      %add3A_530 = arith.constant 48 : i32
      %add3A_531 = vector.broadcast %add3A_530 : i32 to vector<16xi32>
      %add3A_532 = arith.addi %iota3A, %add3A_531 : vector<16xi32>
      %convert_element_type3A_533 = arith.fptosi %gather3A_515 : vector<16xf32> to vector<16xi32>
      tpu.vector_store_idx %arg7[%broadcast_in_dim3A_529, %add3A_532], %convert_element_type3A_533 : memref<4x128xi32, #tpu.memory_space<vmem>>[vector<16xi32>, vector<16xi32>], vector<16xi32>,
      %convert_element_type3A_534 = arith.fptosi %gather3A_523 : vector<16xf32> to vector<16xi32>
      tpu.vector_store_idx %arg8[%broadcast_in_dim3A_529, %add3A_532], %convert_element_type3A_534 : memref<4x128xi32, #tpu.memory_space<vmem>>[vector<16xi32>, vector<16xi32>], vector<16xi32>,
      %add3A_535 = arith.constant 304 : i32
      %add3A_536 = vector.broadcast %add3A_535 : i32 to vector<16xi32>
      %add3A_537 = arith.addi %iota3A, %add3A_536 : vector<16xi32>
      tpu.vector_store_idx %arg11[%add3A_537, %broadcast_in_dim3A_6], %gather3A_519 : memref<512x18xf32, #tpu.memory_space<vmem>>[vector<16xi32>, vector<16xi32>], vector<16xf32>,
      tpu.vector_store_idx %arg11[%add3A_537, %broadcast_in_dim3A_8], %gather3A_527 : memref<512x18xf32, #tpu.memory_space<vmem>>[vector<16xi32>, vector<16xi32>], vector<16xf32>,
      %add3A_538 = arith.constant 1280 : i32
      %add3A_539 = vector.broadcast %add3A_538 : i32 to vector<16xi32>
      %add3A_540 = arith.addi %mul3A_5, %add3A_539 : vector<16xi32>
      %gather3A_541 = tpu.vector_load_idx %arg6[%add3A_540] : memref<2048xf32, #tpu.memory_space<vmem>>[vector<16xi32>], vector<16xf32>,
      %add3A_542 = arith.constant 1 : i32
      %add3A_543 = vector.broadcast %add3A_542 : i32 to vector<16xi32>
      %add3A_544 = arith.addi %add3A_540, %add3A_543 : vector<16xi32>
      %gather3A_545 = tpu.vector_load_idx %arg6[%add3A_544] : memref<2048xf32, #tpu.memory_space<vmem>>[vector<16xi32>], vector<16xf32>,
      %add3A_546 = arith.constant 2 : i32
      %add3A_547 = vector.broadcast %add3A_546 : i32 to vector<16xi32>
      %add3A_548 = arith.addi %add3A_540, %add3A_547 : vector<16xi32>
      %gather3A_549 = tpu.vector_load_idx %arg6[%add3A_548] : memref<2048xf32, #tpu.memory_space<vmem>>[vector<16xi32>], vector<16xf32>,
      %add3A_550 = arith.constant 3 : i32
      %add3A_551 = vector.broadcast %add3A_550 : i32 to vector<16xi32>
      %add3A_552 = arith.addi %add3A_540, %add3A_551 : vector<16xi32>
      %gather3A_553 = tpu.vector_load_idx %arg6[%add3A_552] : memref<2048xf32, #tpu.memory_space<vmem>>[vector<16xi32>], vector<16xf32>,
      %broadcast_in_dim3A_554 = arith.constant 2 : i32
      %broadcast_in_dim3A_555 = vector.broadcast %broadcast_in_dim3A_554 : i32 to vector<16xi32>
      %add3A_556 = arith.constant 64 : i32
      %add3A_557 = vector.broadcast %add3A_556 : i32 to vector<16xi32>
      %add3A_558 = arith.addi %iota3A, %add3A_557 : vector<16xi32>
      %convert_element_type3A_559 = arith.fptosi %gather3A_541 : vector<16xf32> to vector<16xi32>
      tpu.vector_store_idx %arg7[%broadcast_in_dim3A_555, %add3A_558], %convert_element_type3A_559 : memref<4x128xi32, #tpu.memory_space<vmem>>[vector<16xi32>, vector<16xi32>], vector<16xi32>,
      %convert_element_type3A_560 = arith.fptosi %gather3A_549 : vector<16xf32> to vector<16xi32>
      tpu.vector_store_idx %arg8[%broadcast_in_dim3A_555, %add3A_558], %convert_element_type3A_560 : memref<4x128xi32, #tpu.memory_space<vmem>>[vector<16xi32>, vector<16xi32>], vector<16xi32>,
      %add3A_561 = arith.constant 320 : i32
      %add3A_562 = vector.broadcast %add3A_561 : i32 to vector<16xi32>
      %add3A_563 = arith.addi %iota3A, %add3A_562 : vector<16xi32>
      tpu.vector_store_idx %arg11[%add3A_563, %broadcast_in_dim3A_6], %gather3A_545 : memref<512x18xf32, #tpu.memory_space<vmem>>[vector<16xi32>, vector<16xi32>], vector<16xf32>,
      tpu.vector_store_idx %arg11[%add3A_563, %broadcast_in_dim3A_8], %gather3A_553 : memref<512x18xf32, #tpu.memory_space<vmem>>[vector<16xi32>, vector<16xi32>], vector<16xf32>,
      %add3A_564 = arith.constant 1344 : i32
      %add3A_565 = vector.broadcast %add3A_564 : i32 to vector<16xi32>
      %add3A_566 = arith.addi %mul3A_5, %add3A_565 : vector<16xi32>
      %gather3A_567 = tpu.vector_load_idx %arg6[%add3A_566] : memref<2048xf32, #tpu.memory_space<vmem>>[vector<16xi32>], vector<16xf32>,
      %add3A_568 = arith.constant 1 : i32
      %add3A_569 = vector.broadcast %add3A_568 : i32 to vector<16xi32>
      %add3A_570 = arith.addi %add3A_566, %add3A_569 : vector<16xi32>
      %gather3A_571 = tpu.vector_load_idx %arg6[%add3A_570] : memref<2048xf32, #tpu.memory_space<vmem>>[vector<16xi32>], vector<16xf32>,
      %add3A_572 = arith.constant 2 : i32
      %add3A_573 = vector.broadcast %add3A_572 : i32 to vector<16xi32>
      %add3A_574 = arith.addi %add3A_566, %add3A_573 : vector<16xi32>
      %gather3A_575 = tpu.vector_load_idx %arg6[%add3A_574] : memref<2048xf32, #tpu.memory_space<vmem>>[vector<16xi32>], vector<16xf32>,
      %add3A_576 = arith.constant 3 : i32
      %add3A_577 = vector.broadcast %add3A_576 : i32 to vector<16xi32>
      %add3A_578 = arith.addi %add3A_566, %add3A_577 : vector<16xi32>
      %gather3A_579 = tpu.vector_load_idx %arg6[%add3A_578] : memref<2048xf32, #tpu.memory_space<vmem>>[vector<16xi32>], vector<16xf32>,
      %broadcast_in_dim3A_580 = arith.constant 2 : i32
      %broadcast_in_dim3A_581 = vector.broadcast %broadcast_in_dim3A_580 : i32 to vector<16xi32>
      %add3A_582 = arith.constant 80 : i32
      %add3A_583 = vector.broadcast %add3A_582 : i32 to vector<16xi32>
      %add3A_584 = arith.addi %iota3A, %add3A_583 : vector<16xi32>
      %convert_element_type3A_585 = arith.fptosi %gather3A_567 : vector<16xf32> to vector<16xi32>
      tpu.vector_store_idx %arg7[%broadcast_in_dim3A_581, %add3A_584], %convert_element_type3A_585 : memref<4x128xi32, #tpu.memory_space<vmem>>[vector<16xi32>, vector<16xi32>], vector<16xi32>,
      %convert_element_type3A_586 = arith.fptosi %gather3A_575 : vector<16xf32> to vector<16xi32>
      tpu.vector_store_idx %arg8[%broadcast_in_dim3A_581, %add3A_584], %convert_element_type3A_586 : memref<4x128xi32, #tpu.memory_space<vmem>>[vector<16xi32>, vector<16xi32>], vector<16xi32>,
      %add3A_587 = arith.constant 336 : i32
      %add3A_588 = vector.broadcast %add3A_587 : i32 to vector<16xi32>
      %add3A_589 = arith.addi %iota3A, %add3A_588 : vector<16xi32>
      tpu.vector_store_idx %arg11[%add3A_589, %broadcast_in_dim3A_6], %gather3A_571 : memref<512x18xf32, #tpu.memory_space<vmem>>[vector<16xi32>, vector<16xi32>], vector<16xf32>,
      tpu.vector_store_idx %arg11[%add3A_589, %broadcast_in_dim3A_8], %gather3A_579 : memref<512x18xf32, #tpu.memory_space<vmem>>[vector<16xi32>, vector<16xi32>], vector<16xf32>,
      %add3A_590 = arith.constant 1408 : i32
      %add3A_591 = vector.broadcast %add3A_590 : i32 to vector<16xi32>
      %add3A_592 = arith.addi %mul3A_5, %add3A_591 : vector<16xi32>
      %gather3A_593 = tpu.vector_load_idx %arg6[%add3A_592] : memref<2048xf32, #tpu.memory_space<vmem>>[vector<16xi32>], vector<16xf32>,
      %add3A_594 = arith.constant 1 : i32
      %add3A_595 = vector.broadcast %add3A_594 : i32 to vector<16xi32>
      %add3A_596 = arith.addi %add3A_592, %add3A_595 : vector<16xi32>
      %gather3A_597 = tpu.vector_load_idx %arg6[%add3A_596] : memref<2048xf32, #tpu.memory_space<vmem>>[vector<16xi32>], vector<16xf32>,
      %add3A_598 = arith.constant 2 : i32
      %add3A_599 = vector.broadcast %add3A_598 : i32 to vector<16xi32>
      %add3A_600 = arith.addi %add3A_592, %add3A_599 : vector<16xi32>
      %gather3A_601 = tpu.vector_load_idx %arg6[%add3A_600] : memref<2048xf32, #tpu.memory_space<vmem>>[vector<16xi32>], vector<16xf32>,
      %add3A_602 = arith.constant 3 : i32
      %add3A_603 = vector.broadcast %add3A_602 : i32 to vector<16xi32>
      %add3A_604 = arith.addi %add3A_592, %add3A_603 : vector<16xi32>
      %gather3A_605 = tpu.vector_load_idx %arg6[%add3A_604] : memref<2048xf32, #tpu.memory_space<vmem>>[vector<16xi32>], vector<16xf32>,
      %broadcast_in_dim3A_606 = arith.constant 2 : i32
      %broadcast_in_dim3A_607 = vector.broadcast %broadcast_in_dim3A_606 : i32 to vector<16xi32>
      %add3A_608 = arith.constant 96 : i32
      %add3A_609 = vector.broadcast %add3A_608 : i32 to vector<16xi32>
      %add3A_610 = arith.addi %iota3A, %add3A_609 : vector<16xi32>
      %convert_element_type3A_611 = arith.fptosi %gather3A_593 : vector<16xf32> to vector<16xi32>
      tpu.vector_store_idx %arg7[%broadcast_in_dim3A_607, %add3A_610], %convert_element_type3A_611 : memref<4x128xi32, #tpu.memory_space<vmem>>[vector<16xi32>, vector<16xi32>], vector<16xi32>,
      %convert_element_type3A_612 = arith.fptosi %gather3A_601 : vector<16xf32> to vector<16xi32>
      tpu.vector_store_idx %arg8[%broadcast_in_dim3A_607, %add3A_610], %convert_element_type3A_612 : memref<4x128xi32, #tpu.memory_space<vmem>>[vector<16xi32>, vector<16xi32>], vector<16xi32>,
      %add3A_613 = arith.constant 352 : i32
      %add3A_614 = vector.broadcast %add3A_613 : i32 to vector<16xi32>
      %add3A_615 = arith.addi %iota3A, %add3A_614 : vector<16xi32>
      tpu.vector_store_idx %arg11[%add3A_615, %broadcast_in_dim3A_6], %gather3A_597 : memref<512x18xf32, #tpu.memory_space<vmem>>[vector<16xi32>, vector<16xi32>], vector<16xf32>,
      tpu.vector_store_idx %arg11[%add3A_615, %broadcast_in_dim3A_8], %gather3A_605 : memref<512x18xf32, #tpu.memory_space<vmem>>[vector<16xi32>, vector<16xi32>], vector<16xf32>,
      %add3A_616 = arith.constant 1472 : i32
      %add3A_617 = vector.broadcast %add3A_616 : i32 to vector<16xi32>
      %add3A_618 = arith.addi %mul3A_5, %add3A_617 : vector<16xi32>
      %gather3A_619 = tpu.vector_load_idx %arg6[%add3A_618] : memref<2048xf32, #tpu.memory_space<vmem>>[vector<16xi32>], vector<16xf32>,
      %add3A_620 = arith.constant 1 : i32
      %add3A_621 = vector.broadcast %add3A_620 : i32 to vector<16xi32>
      %add3A_622 = arith.addi %add3A_618, %add3A_621 : vector<16xi32>
      %gather3A_623 = tpu.vector_load_idx %arg6[%add3A_622] : memref<2048xf32, #tpu.memory_space<vmem>>[vector<16xi32>], vector<16xf32>,
      %add3A_624 = arith.constant 2 : i32
      %add3A_625 = vector.broadcast %add3A_624 : i32 to vector<16xi32>
      %add3A_626 = arith.addi %add3A_618, %add3A_625 : vector<16xi32>
      %gather3A_627 = tpu.vector_load_idx %arg6[%add3A_626] : memref<2048xf32, #tpu.memory_space<vmem>>[vector<16xi32>], vector<16xf32>,
      %add3A_628 = arith.constant 3 : i32
      %add3A_629 = vector.broadcast %add3A_628 : i32 to vector<16xi32>
      %add3A_630 = arith.addi %add3A_618, %add3A_629 : vector<16xi32>
      %gather3A_631 = tpu.vector_load_idx %arg6[%add3A_630] : memref<2048xf32, #tpu.memory_space<vmem>>[vector<16xi32>], vector<16xf32>,
      %broadcast_in_dim3A_632 = arith.constant 2 : i32
      %broadcast_in_dim3A_633 = vector.broadcast %broadcast_in_dim3A_632 : i32 to vector<16xi32>
      %add3A_634 = arith.constant 112 : i32
      %add3A_635 = vector.broadcast %add3A_634 : i32 to vector<16xi32>
      %add3A_636 = arith.addi %iota3A, %add3A_635 : vector<16xi32>
      %convert_element_type3A_637 = arith.fptosi %gather3A_619 : vector<16xf32> to vector<16xi32>
      tpu.vector_store_idx %arg7[%broadcast_in_dim3A_633, %add3A_636], %convert_element_type3A_637 : memref<4x128xi32, #tpu.memory_space<vmem>>[vector<16xi32>, vector<16xi32>], vector<16xi32>,
      %convert_element_type3A_638 = arith.fptosi %gather3A_627 : vector<16xf32> to vector<16xi32>
      tpu.vector_store_idx %arg8[%broadcast_in_dim3A_633, %add3A_636], %convert_element_type3A_638 : memref<4x128xi32, #tpu.memory_space<vmem>>[vector<16xi32>, vector<16xi32>], vector<16xi32>,
      %add3A_639 = arith.constant 368 : i32
      %add3A_640 = vector.broadcast %add3A_639 : i32 to vector<16xi32>
      %add3A_641 = arith.addi %iota3A, %add3A_640 : vector<16xi32>
      tpu.vector_store_idx %arg11[%add3A_641, %broadcast_in_dim3A_6], %gather3A_623 : memref<512x18xf32, #tpu.memory_space<vmem>>[vector<16xi32>, vector<16xi32>], vector<16xf32>,
      tpu.vector_store_idx %arg11[%add3A_641, %broadcast_in_dim3A_8], %gather3A_631 : memref<512x18xf32, #tpu.memory_space<vmem>>[vector<16xi32>, vector<16xi32>], vector<16xf32>,
      %add3A_642 = arith.constant 1536 : i32
      %add3A_643 = vector.broadcast %add3A_642 : i32 to vector<16xi32>
      %add3A_644 = arith.addi %mul3A_5, %add3A_643 : vector<16xi32>
      %gather3A_645 = tpu.vector_load_idx %arg6[%add3A_644] : memref<2048xf32, #tpu.memory_space<vmem>>[vector<16xi32>], vector<16xf32>,
      %add3A_646 = arith.constant 1 : i32
      %add3A_647 = vector.broadcast %add3A_646 : i32 to vector<16xi32>
      %add3A_648 = arith.addi %add3A_644, %add3A_647 : vector<16xi32>
      %gather3A_649 = tpu.vector_load_idx %arg6[%add3A_648] : memref<2048xf32, #tpu.memory_space<vmem>>[vector<16xi32>], vector<16xf32>,
      %add3A_650 = arith.constant 2 : i32
      %add3A_651 = vector.broadcast %add3A_650 : i32 to vector<16xi32>
      %add3A_652 = arith.addi %add3A_644, %add3A_651 : vector<16xi32>
      %gather3A_653 = tpu.vector_load_idx %arg6[%add3A_652] : memref<2048xf32, #tpu.memory_space<vmem>>[vector<16xi32>], vector<16xf32>,
      %add3A_654 = arith.constant 3 : i32
      %add3A_655 = vector.broadcast %add3A_654 : i32 to vector<16xi32>
      %add3A_656 = arith.addi %add3A_644, %add3A_655 : vector<16xi32>
      %gather3A_657 = tpu.vector_load_idx %arg6[%add3A_656] : memref<2048xf32, #tpu.memory_space<vmem>>[vector<16xi32>], vector<16xf32>,
      %broadcast_in_dim3A_658 = arith.constant 3 : i32
      %broadcast_in_dim3A_659 = vector.broadcast %broadcast_in_dim3A_658 : i32 to vector<16xi32>
      %add3A_660 = arith.constant 0 : i32
      %add3A_661 = vector.broadcast %add3A_660 : i32 to vector<16xi32>
      %add3A_662 = arith.addi %iota3A, %add3A_661 : vector<16xi32>
      %convert_element_type3A_663 = arith.fptosi %gather3A_645 : vector<16xf32> to vector<16xi32>
      tpu.vector_store_idx %arg7[%broadcast_in_dim3A_659, %add3A_662], %convert_element_type3A_663 : memref<4x128xi32, #tpu.memory_space<vmem>>[vector<16xi32>, vector<16xi32>], vector<16xi32>,
      %convert_element_type3A_664 = arith.fptosi %gather3A_653 : vector<16xf32> to vector<16xi32>
      tpu.vector_store_idx %arg8[%broadcast_in_dim3A_659, %add3A_662], %convert_element_type3A_664 : memref<4x128xi32, #tpu.memory_space<vmem>>[vector<16xi32>, vector<16xi32>], vector<16xi32>,
      %add3A_665 = arith.constant 384 : i32
      %add3A_666 = vector.broadcast %add3A_665 : i32 to vector<16xi32>
      %add3A_667 = arith.addi %iota3A, %add3A_666 : vector<16xi32>
      tpu.vector_store_idx %arg11[%add3A_667, %broadcast_in_dim3A_6], %gather3A_649 : memref<512x18xf32, #tpu.memory_space<vmem>>[vector<16xi32>, vector<16xi32>], vector<16xf32>,
      tpu.vector_store_idx %arg11[%add3A_667, %broadcast_in_dim3A_8], %gather3A_657 : memref<512x18xf32, #tpu.memory_space<vmem>>[vector<16xi32>, vector<16xi32>], vector<16xf32>,
      %add3A_668 = arith.constant 1600 : i32
      %add3A_669 = vector.broadcast %add3A_668 : i32 to vector<16xi32>
      %add3A_670 = arith.addi %mul3A_5, %add3A_669 : vector<16xi32>
      %gather3A_671 = tpu.vector_load_idx %arg6[%add3A_670] : memref<2048xf32, #tpu.memory_space<vmem>>[vector<16xi32>], vector<16xf32>,
      %add3A_672 = arith.constant 1 : i32
      %add3A_673 = vector.broadcast %add3A_672 : i32 to vector<16xi32>
      %add3A_674 = arith.addi %add3A_670, %add3A_673 : vector<16xi32>
      %gather3A_675 = tpu.vector_load_idx %arg6[%add3A_674] : memref<2048xf32, #tpu.memory_space<vmem>>[vector<16xi32>], vector<16xf32>,
      %add3A_676 = arith.constant 2 : i32
      %add3A_677 = vector.broadcast %add3A_676 : i32 to vector<16xi32>
      %add3A_678 = arith.addi %add3A_670, %add3A_677 : vector<16xi32>
      %gather3A_679 = tpu.vector_load_idx %arg6[%add3A_678] : memref<2048xf32, #tpu.memory_space<vmem>>[vector<16xi32>], vector<16xf32>,
      %add3A_680 = arith.constant 3 : i32
      %add3A_681 = vector.broadcast %add3A_680 : i32 to vector<16xi32>
      %add3A_682 = arith.addi %add3A_670, %add3A_681 : vector<16xi32>
      %gather3A_683 = tpu.vector_load_idx %arg6[%add3A_682] : memref<2048xf32, #tpu.memory_space<vmem>>[vector<16xi32>], vector<16xf32>,
      %broadcast_in_dim3A_684 = arith.constant 3 : i32
      %broadcast_in_dim3A_685 = vector.broadcast %broadcast_in_dim3A_684 : i32 to vector<16xi32>
      %add3A_686 = arith.constant 16 : i32
      %add3A_687 = vector.broadcast %add3A_686 : i32 to vector<16xi32>
      %add3A_688 = arith.addi %iota3A, %add3A_687 : vector<16xi32>
      %convert_element_type3A_689 = arith.fptosi %gather3A_671 : vector<16xf32> to vector<16xi32>
      tpu.vector_store_idx %arg7[%broadcast_in_dim3A_685, %add3A_688], %convert_element_type3A_689 : memref<4x128xi32, #tpu.memory_space<vmem>>[vector<16xi32>, vector<16xi32>], vector<16xi32>,
      %convert_element_type3A_690 = arith.fptosi %gather3A_679 : vector<16xf32> to vector<16xi32>
      tpu.vector_store_idx %arg8[%broadcast_in_dim3A_685, %add3A_688], %convert_element_type3A_690 : memref<4x128xi32, #tpu.memory_space<vmem>>[vector<16xi32>, vector<16xi32>], vector<16xi32>,
      %add3A_691 = arith.constant 400 : i32
      %add3A_692 = vector.broadcast %add3A_691 : i32 to vector<16xi32>
      %add3A_693 = arith.addi %iota3A, %add3A_692 : vector<16xi32>
      tpu.vector_store_idx %arg11[%add3A_693, %broadcast_in_dim3A_6], %gather3A_675 : memref<512x18xf32, #tpu.memory_space<vmem>>[vector<16xi32>, vector<16xi32>], vector<16xf32>,
      tpu.vector_store_idx %arg11[%add3A_693, %broadcast_in_dim3A_8], %gather3A_683 : memref<512x18xf32, #tpu.memory_space<vmem>>[vector<16xi32>, vector<16xi32>], vector<16xf32>,
      %add3A_694 = arith.constant 1664 : i32
      %add3A_695 = vector.broadcast %add3A_694 : i32 to vector<16xi32>
      %add3A_696 = arith.addi %mul3A_5, %add3A_695 : vector<16xi32>
      %gather3A_697 = tpu.vector_load_idx %arg6[%add3A_696] : memref<2048xf32, #tpu.memory_space<vmem>>[vector<16xi32>], vector<16xf32>,
      %add3A_698 = arith.constant 1 : i32
      %add3A_699 = vector.broadcast %add3A_698 : i32 to vector<16xi32>
      %add3A_700 = arith.addi %add3A_696, %add3A_699 : vector<16xi32>
      %gather3A_701 = tpu.vector_load_idx %arg6[%add3A_700] : memref<2048xf32, #tpu.memory_space<vmem>>[vector<16xi32>], vector<16xf32>,
      %add3A_702 = arith.constant 2 : i32
      %add3A_703 = vector.broadcast %add3A_702 : i32 to vector<16xi32>
      %add3A_704 = arith.addi %add3A_696, %add3A_703 : vector<16xi32>
      %gather3A_705 = tpu.vector_load_idx %arg6[%add3A_704] : memref<2048xf32, #tpu.memory_space<vmem>>[vector<16xi32>], vector<16xf32>,
      %add3A_706 = arith.constant 3 : i32
      %add3A_707 = vector.broadcast %add3A_706 : i32 to vector<16xi32>
      %add3A_708 = arith.addi %add3A_696, %add3A_707 : vector<16xi32>
      %gather3A_709 = tpu.vector_load_idx %arg6[%add3A_708] : memref<2048xf32, #tpu.memory_space<vmem>>[vector<16xi32>], vector<16xf32>,
      %broadcast_in_dim3A_710 = arith.constant 3 : i32
      %broadcast_in_dim3A_711 = vector.broadcast %broadcast_in_dim3A_710 : i32 to vector<16xi32>
      %add3A_712 = arith.constant 32 : i32
      %add3A_713 = vector.broadcast %add3A_712 : i32 to vector<16xi32>
      %add3A_714 = arith.addi %iota3A, %add3A_713 : vector<16xi32>
      %convert_element_type3A_715 = arith.fptosi %gather3A_697 : vector<16xf32> to vector<16xi32>
      tpu.vector_store_idx %arg7[%broadcast_in_dim3A_711, %add3A_714], %convert_element_type3A_715 : memref<4x128xi32, #tpu.memory_space<vmem>>[vector<16xi32>, vector<16xi32>], vector<16xi32>,
      %convert_element_type3A_716 = arith.fptosi %gather3A_705 : vector<16xf32> to vector<16xi32>
      tpu.vector_store_idx %arg8[%broadcast_in_dim3A_711, %add3A_714], %convert_element_type3A_716 : memref<4x128xi32, #tpu.memory_space<vmem>>[vector<16xi32>, vector<16xi32>], vector<16xi32>,
      %add3A_717 = arith.constant 416 : i32
      %add3A_718 = vector.broadcast %add3A_717 : i32 to vector<16xi32>
      %add3A_719 = arith.addi %iota3A, %add3A_718 : vector<16xi32>
      tpu.vector_store_idx %arg11[%add3A_719, %broadcast_in_dim3A_6], %gather3A_701 : memref<512x18xf32, #tpu.memory_space<vmem>>[vector<16xi32>, vector<16xi32>], vector<16xf32>,
      tpu.vector_store_idx %arg11[%add3A_719, %broadcast_in_dim3A_8], %gather3A_709 : memref<512x18xf32, #tpu.memory_space<vmem>>[vector<16xi32>, vector<16xi32>], vector<16xf32>,
      %add3A_720 = arith.constant 1728 : i32
      %add3A_721 = vector.broadcast %add3A_720 : i32 to vector<16xi32>
      %add3A_722 = arith.addi %mul3A_5, %add3A_721 : vector<16xi32>
      %gather3A_723 = tpu.vector_load_idx %arg6[%add3A_722] : memref<2048xf32, #tpu.memory_space<vmem>>[vector<16xi32>], vector<16xf32>,
      %add3A_724 = arith.constant 1 : i32
      %add3A_725 = vector.broadcast %add3A_724 : i32 to vector<16xi32>
      %add3A_726 = arith.addi %add3A_722, %add3A_725 : vector<16xi32>
      %gather3A_727 = tpu.vector_load_idx %arg6[%add3A_726] : memref<2048xf32, #tpu.memory_space<vmem>>[vector<16xi32>], vector<16xf32>,
      %add3A_728 = arith.constant 2 : i32
      %add3A_729 = vector.broadcast %add3A_728 : i32 to vector<16xi32>
      %add3A_730 = arith.addi %add3A_722, %add3A_729 : vector<16xi32>
      %gather3A_731 = tpu.vector_load_idx %arg6[%add3A_730] : memref<2048xf32, #tpu.memory_space<vmem>>[vector<16xi32>], vector<16xf32>,
      %add3A_732 = arith.constant 3 : i32
      %add3A_733 = vector.broadcast %add3A_732 : i32 to vector<16xi32>
      %add3A_734 = arith.addi %add3A_722, %add3A_733 : vector<16xi32>
      %gather3A_735 = tpu.vector_load_idx %arg6[%add3A_734] : memref<2048xf32, #tpu.memory_space<vmem>>[vector<16xi32>], vector<16xf32>,
      %broadcast_in_dim3A_736 = arith.constant 3 : i32
      %broadcast_in_dim3A_737 = vector.broadcast %broadcast_in_dim3A_736 : i32 to vector<16xi32>
      %add3A_738 = arith.constant 48 : i32
      %add3A_739 = vector.broadcast %add3A_738 : i32 to vector<16xi32>
      %add3A_740 = arith.addi %iota3A, %add3A_739 : vector<16xi32>
      %convert_element_type3A_741 = arith.fptosi %gather3A_723 : vector<16xf32> to vector<16xi32>
      tpu.vector_store_idx %arg7[%broadcast_in_dim3A_737, %add3A_740], %convert_element_type3A_741 : memref<4x128xi32, #tpu.memory_space<vmem>>[vector<16xi32>, vector<16xi32>], vector<16xi32>,
      %convert_element_type3A_742 = arith.fptosi %gather3A_731 : vector<16xf32> to vector<16xi32>
      tpu.vector_store_idx %arg8[%broadcast_in_dim3A_737, %add3A_740], %convert_element_type3A_742 : memref<4x128xi32, #tpu.memory_space<vmem>>[vector<16xi32>, vector<16xi32>], vector<16xi32>,
      %add3A_743 = arith.constant 432 : i32
      %add3A_744 = vector.broadcast %add3A_743 : i32 to vector<16xi32>
      %add3A_745 = arith.addi %iota3A, %add3A_744 : vector<16xi32>
      tpu.vector_store_idx %arg11[%add3A_745, %broadcast_in_dim3A_6], %gather3A_727 : memref<512x18xf32, #tpu.memory_space<vmem>>[vector<16xi32>, vector<16xi32>], vector<16xf32>,
      tpu.vector_store_idx %arg11[%add3A_745, %broadcast_in_dim3A_8], %gather3A_735 : memref<512x18xf32, #tpu.memory_space<vmem>>[vector<16xi32>, vector<16xi32>], vector<16xf32>,
      %add3A_746 = arith.constant 1792 : i32
      %add3A_747 = vector.broadcast %add3A_746 : i32 to vector<16xi32>
      %add3A_748 = arith.addi %mul3A_5, %add3A_747 : vector<16xi32>
      %gather3A_749 = tpu.vector_load_idx %arg6[%add3A_748] : memref<2048xf32, #tpu.memory_space<vmem>>[vector<16xi32>], vector<16xf32>,
      %add3A_750 = arith.constant 1 : i32
      %add3A_751 = vector.broadcast %add3A_750 : i32 to vector<16xi32>
      %add3A_752 = arith.addi %add3A_748, %add3A_751 : vector<16xi32>
      %gather3A_753 = tpu.vector_load_idx %arg6[%add3A_752] : memref<2048xf32, #tpu.memory_space<vmem>>[vector<16xi32>], vector<16xf32>,
      %add3A_754 = arith.constant 2 : i32
      %add3A_755 = vector.broadcast %add3A_754 : i32 to vector<16xi32>
      %add3A_756 = arith.addi %add3A_748, %add3A_755 : vector<16xi32>
      %gather3A_757 = tpu.vector_load_idx %arg6[%add3A_756] : memref<2048xf32, #tpu.memory_space<vmem>>[vector<16xi32>], vector<16xf32>,
      %add3A_758 = arith.constant 3 : i32
      %add3A_759 = vector.broadcast %add3A_758 : i32 to vector<16xi32>
      %add3A_760 = arith.addi %add3A_748, %add3A_759 : vector<16xi32>
      %gather3A_761 = tpu.vector_load_idx %arg6[%add3A_760] : memref<2048xf32, #tpu.memory_space<vmem>>[vector<16xi32>], vector<16xf32>,
      %broadcast_in_dim3A_762 = arith.constant 3 : i32
      %broadcast_in_dim3A_763 = vector.broadcast %broadcast_in_dim3A_762 : i32 to vector<16xi32>
      %add3A_764 = arith.constant 64 : i32
      %add3A_765 = vector.broadcast %add3A_764 : i32 to vector<16xi32>
      %add3A_766 = arith.addi %iota3A, %add3A_765 : vector<16xi32>
      %convert_element_type3A_767 = arith.fptosi %gather3A_749 : vector<16xf32> to vector<16xi32>
      tpu.vector_store_idx %arg7[%broadcast_in_dim3A_763, %add3A_766], %convert_element_type3A_767 : memref<4x128xi32, #tpu.memory_space<vmem>>[vector<16xi32>, vector<16xi32>], vector<16xi32>,
      %convert_element_type3A_768 = arith.fptosi %gather3A_757 : vector<16xf32> to vector<16xi32>
      tpu.vector_store_idx %arg8[%broadcast_in_dim3A_763, %add3A_766], %convert_element_type3A_768 : memref<4x128xi32, #tpu.memory_space<vmem>>[vector<16xi32>, vector<16xi32>], vector<16xi32>,
      %add3A_769 = arith.constant 448 : i32
      %add3A_770 = vector.broadcast %add3A_769 : i32 to vector<16xi32>
      %add3A_771 = arith.addi %iota3A, %add3A_770 : vector<16xi32>
      tpu.vector_store_idx %arg11[%add3A_771, %broadcast_in_dim3A_6], %gather3A_753 : memref<512x18xf32, #tpu.memory_space<vmem>>[vector<16xi32>, vector<16xi32>], vector<16xf32>,
      tpu.vector_store_idx %arg11[%add3A_771, %broadcast_in_dim3A_8], %gather3A_761 : memref<512x18xf32, #tpu.memory_space<vmem>>[vector<16xi32>, vector<16xi32>], vector<16xf32>,
      %add3A_772 = arith.constant 1856 : i32
      %add3A_773 = vector.broadcast %add3A_772 : i32 to vector<16xi32>
      %add3A_774 = arith.addi %mul3A_5, %add3A_773 : vector<16xi32>
      %gather3A_775 = tpu.vector_load_idx %arg6[%add3A_774] : memref<2048xf32, #tpu.memory_space<vmem>>[vector<16xi32>], vector<16xf32>,
      %add3A_776 = arith.constant 1 : i32
      %add3A_777 = vector.broadcast %add3A_776 : i32 to vector<16xi32>
      %add3A_778 = arith.addi %add3A_774, %add3A_777 : vector<16xi32>
      %gather3A_779 = tpu.vector_load_idx %arg6[%add3A_778] : memref<2048xf32, #tpu.memory_space<vmem>>[vector<16xi32>], vector<16xf32>,
      %add3A_780 = arith.constant 2 : i32
      %add3A_781 = vector.broadcast %add3A_780 : i32 to vector<16xi32>
      %add3A_782 = arith.addi %add3A_774, %add3A_781 : vector<16xi32>
      %gather3A_783 = tpu.vector_load_idx %arg6[%add3A_782] : memref<2048xf32, #tpu.memory_space<vmem>>[vector<16xi32>], vector<16xf32>,
      %add3A_784 = arith.constant 3 : i32
      %add3A_785 = vector.broadcast %add3A_784 : i32 to vector<16xi32>
      %add3A_786 = arith.addi %add3A_774, %add3A_785 : vector<16xi32>
      %gather3A_787 = tpu.vector_load_idx %arg6[%add3A_786] : memref<2048xf32, #tpu.memory_space<vmem>>[vector<16xi32>], vector<16xf32>,
      %broadcast_in_dim3A_788 = arith.constant 3 : i32
      %broadcast_in_dim3A_789 = vector.broadcast %broadcast_in_dim3A_788 : i32 to vector<16xi32>
      %add3A_790 = arith.constant 80 : i32
      %add3A_791 = vector.broadcast %add3A_790 : i32 to vector<16xi32>
      %add3A_792 = arith.addi %iota3A, %add3A_791 : vector<16xi32>
      %convert_element_type3A_793 = arith.fptosi %gather3A_775 : vector<16xf32> to vector<16xi32>
      tpu.vector_store_idx %arg7[%broadcast_in_dim3A_789, %add3A_792], %convert_element_type3A_793 : memref<4x128xi32, #tpu.memory_space<vmem>>[vector<16xi32>, vector<16xi32>], vector<16xi32>,
      %convert_element_type3A_794 = arith.fptosi %gather3A_783 : vector<16xf32> to vector<16xi32>
      tpu.vector_store_idx %arg8[%broadcast_in_dim3A_789, %add3A_792], %convert_element_type3A_794 : memref<4x128xi32, #tpu.memory_space<vmem>>[vector<16xi32>, vector<16xi32>], vector<16xi32>,
      %add3A_795 = arith.constant 464 : i32
      %add3A_796 = vector.broadcast %add3A_795 : i32 to vector<16xi32>
      %add3A_797 = arith.addi %iota3A, %add3A_796 : vector<16xi32>
      tpu.vector_store_idx %arg11[%add3A_797, %broadcast_in_dim3A_6], %gather3A_779 : memref<512x18xf32, #tpu.memory_space<vmem>>[vector<16xi32>, vector<16xi32>], vector<16xf32>,
      tpu.vector_store_idx %arg11[%add3A_797, %broadcast_in_dim3A_8], %gather3A_787 : memref<512x18xf32, #tpu.memory_space<vmem>>[vector<16xi32>, vector<16xi32>], vector<16xf32>,
      %add3A_798 = arith.constant 1920 : i32
      %add3A_799 = vector.broadcast %add3A_798 : i32 to vector<16xi32>
      %add3A_800 = arith.addi %mul3A_5, %add3A_799 : vector<16xi32>
      %gather3A_801 = tpu.vector_load_idx %arg6[%add3A_800] : memref<2048xf32, #tpu.memory_space<vmem>>[vector<16xi32>], vector<16xf32>,
      %add3A_802 = arith.constant 1 : i32
      %add3A_803 = vector.broadcast %add3A_802 : i32 to vector<16xi32>
      %add3A_804 = arith.addi %add3A_800, %add3A_803 : vector<16xi32>
      %gather3A_805 = tpu.vector_load_idx %arg6[%add3A_804] : memref<2048xf32, #tpu.memory_space<vmem>>[vector<16xi32>], vector<16xf32>,
      %add3A_806 = arith.constant 2 : i32
      %add3A_807 = vector.broadcast %add3A_806 : i32 to vector<16xi32>
      %add3A_808 = arith.addi %add3A_800, %add3A_807 : vector<16xi32>
      %gather3A_809 = tpu.vector_load_idx %arg6[%add3A_808] : memref<2048xf32, #tpu.memory_space<vmem>>[vector<16xi32>], vector<16xf32>,
      %add3A_810 = arith.constant 3 : i32
      %add3A_811 = vector.broadcast %add3A_810 : i32 to vector<16xi32>
      %add3A_812 = arith.addi %add3A_800, %add3A_811 : vector<16xi32>
      %gather3A_813 = tpu.vector_load_idx %arg6[%add3A_812] : memref<2048xf32, #tpu.memory_space<vmem>>[vector<16xi32>], vector<16xf32>,
      %broadcast_in_dim3A_814 = arith.constant 3 : i32
      %broadcast_in_dim3A_815 = vector.broadcast %broadcast_in_dim3A_814 : i32 to vector<16xi32>
      %add3A_816 = arith.constant 96 : i32
      %add3A_817 = vector.broadcast %add3A_816 : i32 to vector<16xi32>
      %add3A_818 = arith.addi %iota3A, %add3A_817 : vector<16xi32>
      %convert_element_type3A_819 = arith.fptosi %gather3A_801 : vector<16xf32> to vector<16xi32>
      tpu.vector_store_idx %arg7[%broadcast_in_dim3A_815, %add3A_818], %convert_element_type3A_819 : memref<4x128xi32, #tpu.memory_space<vmem>>[vector<16xi32>, vector<16xi32>], vector<16xi32>,
      %convert_element_type3A_820 = arith.fptosi %gather3A_809 : vector<16xf32> to vector<16xi32>
      tpu.vector_store_idx %arg8[%broadcast_in_dim3A_815, %add3A_818], %convert_element_type3A_820 : memref<4x128xi32, #tpu.memory_space<vmem>>[vector<16xi32>, vector<16xi32>], vector<16xi32>,
      %add3A_821 = arith.constant 480 : i32
      %add3A_822 = vector.broadcast %add3A_821 : i32 to vector<16xi32>
      %add3A_823 = arith.addi %iota3A, %add3A_822 : vector<16xi32>
      tpu.vector_store_idx %arg11[%add3A_823, %broadcast_in_dim3A_6], %gather3A_805 : memref<512x18xf32, #tpu.memory_space<vmem>>[vector<16xi32>, vector<16xi32>], vector<16xf32>,
      tpu.vector_store_idx %arg11[%add3A_823, %broadcast_in_dim3A_8], %gather3A_813 : memref<512x18xf32, #tpu.memory_space<vmem>>[vector<16xi32>, vector<16xi32>], vector<16xf32>,
      %add3A_824 = arith.constant 1984 : i32
      %add3A_825 = vector.broadcast %add3A_824 : i32 to vector<16xi32>
      %add3A_826 = arith.addi %mul3A_5, %add3A_825 : vector<16xi32>
      %gather3A_827 = tpu.vector_load_idx %arg6[%add3A_826] : memref<2048xf32, #tpu.memory_space<vmem>>[vector<16xi32>], vector<16xf32>,
      %add3A_828 = arith.constant 1 : i32
      %add3A_829 = vector.broadcast %add3A_828 : i32 to vector<16xi32>
      %add3A_830 = arith.addi %add3A_826, %add3A_829 : vector<16xi32>
      %gather3A_831 = tpu.vector_load_idx %arg6[%add3A_830] : memref<2048xf32, #tpu.memory_space<vmem>>[vector<16xi32>], vector<16xf32>,
      %add3A_832 = arith.constant 2 : i32
      %add3A_833 = vector.broadcast %add3A_832 : i32 to vector<16xi32>
      %add3A_834 = arith.addi %add3A_826, %add3A_833 : vector<16xi32>
      %gather3A_835 = tpu.vector_load_idx %arg6[%add3A_834] : memref<2048xf32, #tpu.memory_space<vmem>>[vector<16xi32>], vector<16xf32>,
      %add3A_836 = arith.constant 3 : i32
      %add3A_837 = vector.broadcast %add3A_836 : i32 to vector<16xi32>
      %add3A_838 = arith.addi %add3A_826, %add3A_837 : vector<16xi32>
      %gather3A_839 = tpu.vector_load_idx %arg6[%add3A_838] : memref<2048xf32, #tpu.memory_space<vmem>>[vector<16xi32>], vector<16xf32>,
      %broadcast_in_dim3A_840 = arith.constant 3 : i32
      %broadcast_in_dim3A_841 = vector.broadcast %broadcast_in_dim3A_840 : i32 to vector<16xi32>
      %add3A_842 = arith.constant 112 : i32
      %add3A_843 = vector.broadcast %add3A_842 : i32 to vector<16xi32>
      %add3A_844 = arith.addi %iota3A, %add3A_843 : vector<16xi32>
      %convert_element_type3A_845 = arith.fptosi %gather3A_827 : vector<16xf32> to vector<16xi32>
      tpu.vector_store_idx %arg7[%broadcast_in_dim3A_841, %add3A_844], %convert_element_type3A_845 : memref<4x128xi32, #tpu.memory_space<vmem>>[vector<16xi32>, vector<16xi32>], vector<16xi32>,
      %convert_element_type3A_846 = arith.fptosi %gather3A_835 : vector<16xf32> to vector<16xi32>
      tpu.vector_store_idx %arg8[%broadcast_in_dim3A_841, %add3A_844], %convert_element_type3A_846 : memref<4x128xi32, #tpu.memory_space<vmem>>[vector<16xi32>, vector<16xi32>], vector<16xi32>,
      %add3A_847 = arith.constant 496 : i32
      %add3A_848 = vector.broadcast %add3A_847 : i32 to vector<16xi32>
      %add3A_849 = arith.addi %iota3A, %add3A_848 : vector<16xi32>
      tpu.vector_store_idx %arg11[%add3A_849, %broadcast_in_dim3A_6], %gather3A_831 : memref<512x18xf32, #tpu.memory_space<vmem>>[vector<16xi32>, vector<16xi32>], vector<16xf32>,
      tpu.vector_store_idx %arg11[%add3A_849, %broadcast_in_dim3A_8], %gather3A_839 : memref<512x18xf32, #tpu.memory_space<vmem>>[vector<16xi32>, vector<16xi32>], vector<16xf32>,
      %dma_start3A = arith.constant 0 : i32
      %dma_start3A_850 = arith.constant 0 : i32
      %dma_start3A_851 = arith.constant 0 : i32
      %dma_start3A_852 = tpu.memref_slice %arg9[%dma_start3A_850, %dma_start3A_851] : memref<512x64xf32, #tpu.memory_space<vmem>> -> memref<128x64xf32, #tpu.memory_space<vmem>>
      %dma_start3A_853 = arith.constant 0 : i32
      %dma_start3A_854 = tpu.memref_slice %arg7[%dma_start3A, %dma_start3A_853] : memref<4x128xi32, #tpu.memory_space<vmem>> -> memref<1x128xi32, #tpu.memory_space<vmem>>
      %dma_start3A_855 = tpu.memref_squeeze %dma_start3A_854 : memref<1x128xi32, #tpu.memory_space<vmem>> -> memref<128xi32, #tpu.memory_space<vmem>>
      %dma_start3A_856 = arith.constant 0 : i32
      %dma_start3A_857 = arith.constant 0 : i32
      %dma_start3A_858 = tpu.memref_slice %arg3[%dma_start3A_856, %dma_start3A_857] : memref<100000x64xf32, #tpu.memory_space<hbm>> -> memref<100000x64xf32, #tpu.memory_space<hbm>>
      tpu.enqueue_indirect_dma source(%dma_start3A_858 : memref<100000x64xf32, #tpu.memory_space<hbm>>) target(%dma_start3A_852 : memref<128x64xf32, #tpu.memory_space<vmem>>) offsets(%dma_start3A_855 : memref<128xi32, #tpu.memory_space<vmem>>) semaphore(%arg12 : memref<!tpu.dma_semaphore, #tpu.memory_space<semaphore_mem>>)
      %dma_start3A_859 = arith.constant 0 : i32
      %dma_start3A_860 = arith.constant 0 : i32
      %dma_start3A_861 = arith.constant 0 : i32
      %dma_start3A_862 = tpu.memref_slice %arg10[%dma_start3A_860, %dma_start3A_861] : memref<512x16xf32, #tpu.memory_space<vmem>> -> memref<128x16xf32, #tpu.memory_space<vmem>>
      %dma_start3A_863 = arith.constant 0 : i32
      %dma_start3A_864 = tpu.memref_slice %arg8[%dma_start3A_859, %dma_start3A_863] : memref<4x128xi32, #tpu.memory_space<vmem>> -> memref<1x128xi32, #tpu.memory_space<vmem>>
      %dma_start3A_865 = tpu.memref_squeeze %dma_start3A_864 : memref<1x128xi32, #tpu.memory_space<vmem>> -> memref<128xi32, #tpu.memory_space<vmem>>
      %dma_start3A_866 = arith.constant 0 : i32
      %dma_start3A_867 = arith.constant 0 : i32
      %dma_start3A_868 = tpu.memref_slice %arg4[%dma_start3A_866, %dma_start3A_867] : memref<100000x16xf32, #tpu.memory_space<hbm>> -> memref<100000x16xf32, #tpu.memory_space<hbm>>
      tpu.enqueue_indirect_dma source(%dma_start3A_868 : memref<100000x16xf32, #tpu.memory_space<hbm>>) target(%dma_start3A_862 : memref<128x16xf32, #tpu.memory_space<vmem>>) offsets(%dma_start3A_865 : memref<128xi32, #tpu.memory_space<vmem>>) semaphore(%arg12 : memref<!tpu.dma_semaphore, #tpu.memory_space<semaphore_mem>>)
      %dma_start3A_869 = arith.constant 1 : i32
      %dma_start3A_870 = arith.constant 128 : i32
      %dma_start3A_871 = arith.constant 0 : i32
      %dma_start3A_872 = tpu.memref_slice %arg9[%dma_start3A_870, %dma_start3A_871] : memref<512x64xf32, #tpu.memory_space<vmem>> -> memref<128x64xf32, #tpu.memory_space<vmem>>
      %dma_start3A_873 = arith.constant 0 : i32
      %dma_start3A_874 = tpu.memref_slice %arg7[%dma_start3A_869, %dma_start3A_873] : memref<4x128xi32, #tpu.memory_space<vmem>> -> memref<1x128xi32, #tpu.memory_space<vmem>>
      %dma_start3A_875 = tpu.memref_squeeze %dma_start3A_874 : memref<1x128xi32, #tpu.memory_space<vmem>> -> memref<128xi32, #tpu.memory_space<vmem>>
      %dma_start3A_876 = arith.constant 0 : i32
      %dma_start3A_877 = arith.constant 0 : i32
      %dma_start3A_878 = tpu.memref_slice %arg3[%dma_start3A_876, %dma_start3A_877] : memref<100000x64xf32, #tpu.memory_space<hbm>> -> memref<100000x64xf32, #tpu.memory_space<hbm>>
      tpu.enqueue_indirect_dma source(%dma_start3A_878 : memref<100000x64xf32, #tpu.memory_space<hbm>>) target(%dma_start3A_872 : memref<128x64xf32, #tpu.memory_space<vmem>>) offsets(%dma_start3A_875 : memref<128xi32, #tpu.memory_space<vmem>>) semaphore(%arg12 : memref<!tpu.dma_semaphore, #tpu.memory_space<semaphore_mem>>)
      %dma_start3A_879 = arith.constant 1 : i32
      %dma_start3A_880 = arith.constant 128 : i32
      %dma_start3A_881 = arith.constant 0 : i32
      %dma_start3A_882 = tpu.memref_slice %arg10[%dma_start3A_880, %dma_start3A_881] : memref<512x16xf32, #tpu.memory_space<vmem>> -> memref<128x16xf32, #tpu.memory_space<vmem>>
      %dma_start3A_883 = arith.constant 0 : i32
      %dma_start3A_884 = tpu.memref_slice %arg8[%dma_start3A_879, %dma_start3A_883] : memref<4x128xi32, #tpu.memory_space<vmem>> -> memref<1x128xi32, #tpu.memory_space<vmem>>
      %dma_start3A_885 = tpu.memref_squeeze %dma_start3A_884 : memref<1x128xi32, #tpu.memory_space<vmem>> -> memref<128xi32, #tpu.memory_space<vmem>>
      %dma_start3A_886 = arith.constant 0 : i32
      %dma_start3A_887 = arith.constant 0 : i32
      %dma_start3A_888 = tpu.memref_slice %arg4[%dma_start3A_886, %dma_start3A_887] : memref<100000x16xf32, #tpu.memory_space<hbm>> -> memref<100000x16xf32, #tpu.memory_space<hbm>>
      tpu.enqueue_indirect_dma source(%dma_start3A_888 : memref<100000x16xf32, #tpu.memory_space<hbm>>) target(%dma_start3A_882 : memref<128x16xf32, #tpu.memory_space<vmem>>) offsets(%dma_start3A_885 : memref<128xi32, #tpu.memory_space<vmem>>) semaphore(%arg12 : memref<!tpu.dma_semaphore, #tpu.memory_space<semaphore_mem>>)
      %dma_start3A_889 = arith.constant 2 : i32
      %dma_start3A_890 = arith.constant 256 : i32
      %dma_start3A_891 = arith.constant 0 : i32
      %dma_start3A_892 = tpu.memref_slice %arg9[%dma_start3A_890, %dma_start3A_891] : memref<512x64xf32, #tpu.memory_space<vmem>> -> memref<128x64xf32, #tpu.memory_space<vmem>>
      %dma_start3A_893 = arith.constant 0 : i32
      %dma_start3A_894 = tpu.memref_slice %arg7[%dma_start3A_889, %dma_start3A_893] : memref<4x128xi32, #tpu.memory_space<vmem>> -> memref<1x128xi32, #tpu.memory_space<vmem>>
      %dma_start3A_895 = tpu.memref_squeeze %dma_start3A_894 : memref<1x128xi32, #tpu.memory_space<vmem>> -> memref<128xi32, #tpu.memory_space<vmem>>
      %dma_start3A_896 = arith.constant 0 : i32
      %dma_start3A_897 = arith.constant 0 : i32
      %dma_start3A_898 = tpu.memref_slice %arg3[%dma_start3A_896, %dma_start3A_897] : memref<100000x64xf32, #tpu.memory_space<hbm>> -> memref<100000x64xf32, #tpu.memory_space<hbm>>
      tpu.enqueue_indirect_dma source(%dma_start3A_898 : memref<100000x64xf32, #tpu.memory_space<hbm>>) target(%dma_start3A_892 : memref<128x64xf32, #tpu.memory_space<vmem>>) offsets(%dma_start3A_895 : memref<128xi32, #tpu.memory_space<vmem>>) semaphore(%arg12 : memref<!tpu.dma_semaphore, #tpu.memory_space<semaphore_mem>>)
      %dma_start3A_899 = arith.constant 2 : i32
      %dma_start3A_900 = arith.constant 256 : i32
      %dma_start3A_901 = arith.constant 0 : i32
      %dma_start3A_902 = tpu.memref_slice %arg10[%dma_start3A_900, %dma_start3A_901] : memref<512x16xf32, #tpu.memory_space<vmem>> -> memref<128x16xf32, #tpu.memory_space<vmem>>
      %dma_start3A_903 = arith.constant 0 : i32
      %dma_start3A_904 = tpu.memref_slice %arg8[%dma_start3A_899, %dma_start3A_903] : memref<4x128xi32, #tpu.memory_space<vmem>> -> memref<1x128xi32, #tpu.memory_space<vmem>>
      %dma_start3A_905 = tpu.memref_squeeze %dma_start3A_904 : memref<1x128xi32, #tpu.memory_space<vmem>> -> memref<128xi32, #tpu.memory_space<vmem>>
      %dma_start3A_906 = arith.constant 0 : i32
      %dma_start3A_907 = arith.constant 0 : i32
      %dma_start3A_908 = tpu.memref_slice %arg4[%dma_start3A_906, %dma_start3A_907] : memref<100000x16xf32, #tpu.memory_space<hbm>> -> memref<100000x16xf32, #tpu.memory_space<hbm>>
      tpu.enqueue_indirect_dma source(%dma_start3A_908 : memref<100000x16xf32, #tpu.memory_space<hbm>>) target(%dma_start3A_902 : memref<128x16xf32, #tpu.memory_space<vmem>>) offsets(%dma_start3A_905 : memref<128xi32, #tpu.memory_space<vmem>>) semaphore(%arg12 : memref<!tpu.dma_semaphore, #tpu.memory_space<semaphore_mem>>)
      %dma_start3A_909 = arith.constant 3 : i32
      %dma_start3A_910 = arith.constant 384 : i32
      %dma_start3A_911 = arith.constant 0 : i32
      %dma_start3A_912 = tpu.memref_slice %arg9[%dma_start3A_910, %dma_start3A_911] : memref<512x64xf32, #tpu.memory_space<vmem>> -> memref<128x64xf32, #tpu.memory_space<vmem>>
      %dma_start3A_913 = arith.constant 0 : i32
      %dma_start3A_914 = tpu.memref_slice %arg7[%dma_start3A_909, %dma_start3A_913] : memref<4x128xi32, #tpu.memory_space<vmem>> -> memref<1x128xi32, #tpu.memory_space<vmem>>
      %dma_start3A_915 = tpu.memref_squeeze %dma_start3A_914 : memref<1x128xi32, #tpu.memory_space<vmem>> -> memref<128xi32, #tpu.memory_space<vmem>>
      %dma_start3A_916 = arith.constant 0 : i32
      %dma_start3A_917 = arith.constant 0 : i32
      %dma_start3A_918 = tpu.memref_slice %arg3[%dma_start3A_916, %dma_start3A_917] : memref<100000x64xf32, #tpu.memory_space<hbm>> -> memref<100000x64xf32, #tpu.memory_space<hbm>>
      tpu.enqueue_indirect_dma source(%dma_start3A_918 : memref<100000x64xf32, #tpu.memory_space<hbm>>) target(%dma_start3A_912 : memref<128x64xf32, #tpu.memory_space<vmem>>) offsets(%dma_start3A_915 : memref<128xi32, #tpu.memory_space<vmem>>) semaphore(%arg12 : memref<!tpu.dma_semaphore, #tpu.memory_space<semaphore_mem>>)
      %dma_start3A_919 = arith.constant 3 : i32
      %dma_start3A_920 = arith.constant 384 : i32
      %dma_start3A_921 = arith.constant 0 : i32
      %dma_start3A_922 = tpu.memref_slice %arg10[%dma_start3A_920, %dma_start3A_921] : memref<512x16xf32, #tpu.memory_space<vmem>> -> memref<128x16xf32, #tpu.memory_space<vmem>>
      %dma_start3A_923 = arith.constant 0 : i32
      %dma_start3A_924 = tpu.memref_slice %arg8[%dma_start3A_919, %dma_start3A_923] : memref<4x128xi32, #tpu.memory_space<vmem>> -> memref<1x128xi32, #tpu.memory_space<vmem>>
      %dma_start3A_925 = tpu.memref_squeeze %dma_start3A_924 : memref<1x128xi32, #tpu.memory_space<vmem>> -> memref<128xi32, #tpu.memory_space<vmem>>
      %dma_start3A_926 = arith.constant 0 : i32
      %dma_start3A_927 = arith.constant 0 : i32
      %dma_start3A_928 = tpu.memref_slice %arg4[%dma_start3A_926, %dma_start3A_927] : memref<100000x16xf32, #tpu.memory_space<hbm>> -> memref<100000x16xf32, #tpu.memory_space<hbm>>
      tpu.enqueue_indirect_dma source(%dma_start3A_928 : memref<100000x16xf32, #tpu.memory_space<hbm>>) target(%dma_start3A_922 : memref<128x16xf32, #tpu.memory_space<vmem>>) offsets(%dma_start3A_925 : memref<128xi32, #tpu.memory_space<vmem>>) semaphore(%arg12 : memref<!tpu.dma_semaphore, #tpu.memory_space<semaphore_mem>>)
      %dma_wait3A = arith.constant 0 : i32
      %dma_wait3A_929 = arith.constant 0 : i32
      %dma_wait3A_930 = arith.constant 0 : i32
      %dma_wait3A_931 = tpu.memref_slice %arg9[%dma_wait3A_929, %dma_wait3A_930] : memref<512x64xf32, #tpu.memory_space<vmem>> -> memref<128x64xf32, #tpu.memory_space<vmem>>
      %dma_wait3A_932 = arith.constant 0 : i32
      %dma_wait3A_933 = tpu.memref_slice %arg7[%dma_wait3A, %dma_wait3A_932] : memref<4x128xi32, #tpu.memory_space<vmem>> -> memref<1x128xi32, #tpu.memory_space<vmem>>
      %dma_wait3A_934 = tpu.memref_squeeze %dma_wait3A_933 : memref<1x128xi32, #tpu.memory_space<vmem>> -> memref<128xi32, #tpu.memory_space<vmem>>
      %dma_wait3A_935 = arith.constant 0 : i32
      %dma_wait3A_936 = arith.constant 0 : i32
      %dma_wait3A_937 = tpu.memref_slice %arg3[%dma_wait3A_935, %dma_wait3A_936] : memref<100000x64xf32, #tpu.memory_space<hbm>> -> memref<100000x64xf32, #tpu.memory_space<hbm>>
      tpu.wait_indirect_dma semaphore(%arg12 : memref<!tpu.dma_semaphore, #tpu.memory_space<semaphore_mem>>) src(%dma_wait3A_937 : memref<100000x64xf32, #tpu.memory_space<hbm>>) dst(%dma_wait3A_931 : memref<128x64xf32, #tpu.memory_space<vmem>>)
      %dma_wait3A_938 = arith.constant 0 : i32
      %dma_wait3A_939 = arith.constant 0 : i32
      %dma_wait3A_940 = arith.constant 0 : i32
      %dma_wait3A_941 = tpu.memref_slice %arg10[%dma_wait3A_939, %dma_wait3A_940] : memref<512x16xf32, #tpu.memory_space<vmem>> -> memref<128x16xf32, #tpu.memory_space<vmem>>
      %dma_wait3A_942 = arith.constant 0 : i32
      %dma_wait3A_943 = tpu.memref_slice %arg8[%dma_wait3A_938, %dma_wait3A_942] : memref<4x128xi32, #tpu.memory_space<vmem>> -> memref<1x128xi32, #tpu.memory_space<vmem>>
      %dma_wait3A_944 = tpu.memref_squeeze %dma_wait3A_943 : memref<1x128xi32, #tpu.memory_space<vmem>> -> memref<128xi32, #tpu.memory_space<vmem>>
      %dma_wait3A_945 = arith.constant 0 : i32
      %dma_wait3A_946 = arith.constant 0 : i32
      %dma_wait3A_947 = tpu.memref_slice %arg4[%dma_wait3A_945, %dma_wait3A_946] : memref<100000x16xf32, #tpu.memory_space<hbm>> -> memref<100000x16xf32, #tpu.memory_space<hbm>>
      tpu.wait_indirect_dma semaphore(%arg12 : memref<!tpu.dma_semaphore, #tpu.memory_space<semaphore_mem>>) src(%dma_wait3A_947 : memref<100000x16xf32, #tpu.memory_space<hbm>>) dst(%dma_wait3A_941 : memref<128x16xf32, #tpu.memory_space<vmem>>)
      %dma_wait3A_948 = arith.constant 1 : i32
      %dma_wait3A_949 = arith.constant 128 : i32
      %dma_wait3A_950 = arith.constant 0 : i32
      %dma_wait3A_951 = tpu.memref_slice %arg9[%dma_wait3A_949, %dma_wait3A_950] : memref<512x64xf32, #tpu.memory_space<vmem>> -> memref<128x64xf32, #tpu.memory_space<vmem>>
      %dma_wait3A_952 = arith.constant 0 : i32
      %dma_wait3A_953 = tpu.memref_slice %arg7[%dma_wait3A_948, %dma_wait3A_952] : memref<4x128xi32, #tpu.memory_space<vmem>> -> memref<1x128xi32, #tpu.memory_space<vmem>>
      %dma_wait3A_954 = tpu.memref_squeeze %dma_wait3A_953 : memref<1x128xi32, #tpu.memory_space<vmem>> -> memref<128xi32, #tpu.memory_space<vmem>>
      %dma_wait3A_955 = arith.constant 0 : i32
      %dma_wait3A_956 = arith.constant 0 : i32
      %dma_wait3A_957 = tpu.memref_slice %arg3[%dma_wait3A_955, %dma_wait3A_956] : memref<100000x64xf32, #tpu.memory_space<hbm>> -> memref<100000x64xf32, #tpu.memory_space<hbm>>
      tpu.wait_indirect_dma semaphore(%arg12 : memref<!tpu.dma_semaphore, #tpu.memory_space<semaphore_mem>>) src(%dma_wait3A_957 : memref<100000x64xf32, #tpu.memory_space<hbm>>) dst(%dma_wait3A_951 : memref<128x64xf32, #tpu.memory_space<vmem>>)
      %dma_wait3A_958 = arith.constant 1 : i32
      %dma_wait3A_959 = arith.constant 128 : i32
      %dma_wait3A_960 = arith.constant 0 : i32
      %dma_wait3A_961 = tpu.memref_slice %arg10[%dma_wait3A_959, %dma_wait3A_960] : memref<512x16xf32, #tpu.memory_space<vmem>> -> memref<128x16xf32, #tpu.memory_space<vmem>>
      %dma_wait3A_962 = arith.constant 0 : i32
      %dma_wait3A_963 = tpu.memref_slice %arg8[%dma_wait3A_958, %dma_wait3A_962] : memref<4x128xi32, #tpu.memory_space<vmem>> -> memref<1x128xi32, #tpu.memory_space<vmem>>
      %dma_wait3A_964 = tpu.memref_squeeze %dma_wait3A_963 : memref<1x128xi32, #tpu.memory_space<vmem>> -> memref<128xi32, #tpu.memory_space<vmem>>
      %dma_wait3A_965 = arith.constant 0 : i32
      %dma_wait3A_966 = arith.constant 0 : i32
      %dma_wait3A_967 = tpu.memref_slice %arg4[%dma_wait3A_965, %dma_wait3A_966] : memref<100000x16xf32, #tpu.memory_space<hbm>> -> memref<100000x16xf32, #tpu.memory_space<hbm>>
      tpu.wait_indirect_dma semaphore(%arg12 : memref<!tpu.dma_semaphore, #tpu.memory_space<semaphore_mem>>) src(%dma_wait3A_967 : memref<100000x16xf32, #tpu.memory_space<hbm>>) dst(%dma_wait3A_961 : memref<128x16xf32, #tpu.memory_space<vmem>>)
      %dma_wait3A_968 = arith.constant 2 : i32
      %dma_wait3A_969 = arith.constant 256 : i32
      %dma_wait3A_970 = arith.constant 0 : i32
      %dma_wait3A_971 = tpu.memref_slice %arg9[%dma_wait3A_969, %dma_wait3A_970] : memref<512x64xf32, #tpu.memory_space<vmem>> -> memref<128x64xf32, #tpu.memory_space<vmem>>
      %dma_wait3A_972 = arith.constant 0 : i32
      %dma_wait3A_973 = tpu.memref_slice %arg7[%dma_wait3A_968, %dma_wait3A_972] : memref<4x128xi32, #tpu.memory_space<vmem>> -> memref<1x128xi32, #tpu.memory_space<vmem>>
      %dma_wait3A_974 = tpu.memref_squeeze %dma_wait3A_973 : memref<1x128xi32, #tpu.memory_space<vmem>> -> memref<128xi32, #tpu.memory_space<vmem>>
      %dma_wait3A_975 = arith.constant 0 : i32
      %dma_wait3A_976 = arith.constant 0 : i32
      %dma_wait3A_977 = tpu.memref_slice %arg3[%dma_wait3A_975, %dma_wait3A_976] : memref<100000x64xf32, #tpu.memory_space<hbm>> -> memref<100000x64xf32, #tpu.memory_space<hbm>>
      tpu.wait_indirect_dma semaphore(%arg12 : memref<!tpu.dma_semaphore, #tpu.memory_space<semaphore_mem>>) src(%dma_wait3A_977 : memref<100000x64xf32, #tpu.memory_space<hbm>>) dst(%dma_wait3A_971 : memref<128x64xf32, #tpu.memory_space<vmem>>)
      %dma_wait3A_978 = arith.constant 2 : i32
      %dma_wait3A_979 = arith.constant 256 : i32
      %dma_wait3A_980 = arith.constant 0 : i32
      %dma_wait3A_981 = tpu.memref_slice %arg10[%dma_wait3A_979, %dma_wait3A_980] : memref<512x16xf32, #tpu.memory_space<vmem>> -> memref<128x16xf32, #tpu.memory_space<vmem>>
      %dma_wait3A_982 = arith.constant 0 : i32
      %dma_wait3A_983 = tpu.memref_slice %arg8[%dma_wait3A_978, %dma_wait3A_982] : memref<4x128xi32, #tpu.memory_space<vmem>> -> memref<1x128xi32, #tpu.memory_space<vmem>>
      %dma_wait3A_984 = tpu.memref_squeeze %dma_wait3A_983 : memref<1x128xi32, #tpu.memory_space<vmem>> -> memref<128xi32, #tpu.memory_space<vmem>>
      %dma_wait3A_985 = arith.constant 0 : i32
      %dma_wait3A_986 = arith.constant 0 : i32
      %dma_wait3A_987 = tpu.memref_slice %arg4[%dma_wait3A_985, %dma_wait3A_986] : memref<100000x16xf32, #tpu.memory_space<hbm>> -> memref<100000x16xf32, #tpu.memory_space<hbm>>
      tpu.wait_indirect_dma semaphore(%arg12 : memref<!tpu.dma_semaphore, #tpu.memory_space<semaphore_mem>>) src(%dma_wait3A_987 : memref<100000x16xf32, #tpu.memory_space<hbm>>) dst(%dma_wait3A_981 : memref<128x16xf32, #tpu.memory_space<vmem>>)
      %dma_wait3A_988 = arith.constant 3 : i32
      %dma_wait3A_989 = arith.constant 384 : i32
      %dma_wait3A_990 = arith.constant 0 : i32
      %dma_wait3A_991 = tpu.memref_slice %arg9[%dma_wait3A_989, %dma_wait3A_990] : memref<512x64xf32, #tpu.memory_space<vmem>> -> memref<128x64xf32, #tpu.memory_space<vmem>>
      %dma_wait3A_992 = arith.constant 0 : i32
      %dma_wait3A_993 = tpu.memref_slice %arg7[%dma_wait3A_988, %dma_wait3A_992] : memref<4x128xi32, #tpu.memory_space<vmem>> -> memref<1x128xi32, #tpu.memory_space<vmem>>
      %dma_wait3A_994 = tpu.memref_squeeze %dma_wait3A_993 : memref<1x128xi32, #tpu.memory_space<vmem>> -> memref<128xi32, #tpu.memory_space<vmem>>
      %dma_wait3A_995 = arith.constant 0 : i32
      %dma_wait3A_996 = arith.constant 0 : i32
      %dma_wait3A_997 = tpu.memref_slice %arg3[%dma_wait3A_995, %dma_wait3A_996] : memref<100000x64xf32, #tpu.memory_space<hbm>> -> memref<100000x64xf32, #tpu.memory_space<hbm>>
      tpu.wait_indirect_dma semaphore(%arg12 : memref<!tpu.dma_semaphore, #tpu.memory_space<semaphore_mem>>) src(%dma_wait3A_997 : memref<100000x64xf32, #tpu.memory_space<hbm>>) dst(%dma_wait3A_991 : memref<128x64xf32, #tpu.memory_space<vmem>>)
      %dma_wait3A_998 = arith.constant 3 : i32
      %dma_wait3A_999 = arith.constant 384 : i32
      %dma_wait3A_1000 = arith.constant 0 : i32
      %dma_wait3A_1001 = tpu.memref_slice %arg10[%dma_wait3A_999, %dma_wait3A_1000] : memref<512x16xf32, #tpu.memory_space<vmem>> -> memref<128x16xf32, #tpu.memory_space<vmem>>
      %dma_wait3A_1002 = arith.constant 0 : i32
      %dma_wait3A_1003 = tpu.memref_slice %arg8[%dma_wait3A_998, %dma_wait3A_1002] : memref<4x128xi32, #tpu.memory_space<vmem>> -> memref<1x128xi32, #tpu.memory_space<vmem>>
      %dma_wait3A_1004 = tpu.memref_squeeze %dma_wait3A_1003 : memref<1x128xi32, #tpu.memory_space<vmem>> -> memref<128xi32, #tpu.memory_space<vmem>>
      %dma_wait3A_1005 = arith.constant 0 : i32
      %dma_wait3A_1006 = arith.constant 0 : i32
      %dma_wait3A_1007 = tpu.memref_slice %arg4[%dma_wait3A_1005, %dma_wait3A_1006] : memref<100000x16xf32, #tpu.memory_space<hbm>> -> memref<100000x16xf32, #tpu.memory_space<hbm>>
      tpu.wait_indirect_dma semaphore(%arg12 : memref<!tpu.dma_semaphore, #tpu.memory_space<semaphore_mem>>) src(%dma_wait3A_1007 : memref<100000x16xf32, #tpu.memory_space<hbm>>) dst(%dma_wait3A_1001 : memref<128x16xf32, #tpu.memory_space<vmem>>)
      %scan3A_1008 = arith.constant 0 : i32
      %scan3A_1009 = arith.constant 0 : i32
      %scan3A_1010 = arith.constant 64 : i32
      %scan3A_1011 = arith.addi %scan3A_1009, %scan3A_1010 : i32
      %scan3A_1012 = arith.constant 1 : i32
      scf.for %scan3A_1014 = %scan3A_1009 to %scan3A_1011 step %scan3A_1012  : i32 {
        %mul3A_1015 = arith.constant 8 : i32
        %mul3A_1016 = arith.muli %scan3A_1014, %mul3A_1015 : i32
        %add3A_1017 = arith.constant 0 : i32
        %add3A_1018 = arith.addi %mul3A_1016, %add3A_1017 : i32
        %broadcast_in_dim3A_1019 = vector.broadcast %add3A_1018 : i32 to vector<16xi32>
        %gather3A_1020 = tpu.vector_load_idx %arg10[%broadcast_in_dim3A_1019, %iota3A] : memref<512x16xf32, #tpu.memory_space<vmem>>[vector<16xi32>, vector<16xi32>], vector<16xf32>,
        %add3A_1021 = arith.constant 1 : i32
        %add3A_1022 = vector.broadcast %add3A_1021 : i32 to vector<16xi32>
        %add3A_1023 = arith.addi %iota3A, %add3A_1022 : vector<16xi32>
        tpu.vector_store_idx %arg11[%broadcast_in_dim3A_1019, %add3A_1023], %gather3A_1020 : memref<512x18xf32, #tpu.memory_space<vmem>>[vector<16xi32>, vector<16xi32>], vector<16xf32>,
        %add3A_1024 = arith.constant 1 : i32
        %add3A_1025 = arith.addi %mul3A_1016, %add3A_1024 : i32
        %broadcast_in_dim3A_1026 = vector.broadcast %add3A_1025 : i32 to vector<16xi32>
        %gather3A_1027 = tpu.vector_load_idx %arg10[%broadcast_in_dim3A_1026, %iota3A] : memref<512x16xf32, #tpu.memory_space<vmem>>[vector<16xi32>, vector<16xi32>], vector<16xf32>,
        %add3A_1028 = arith.constant 1 : i32
        %add3A_1029 = vector.broadcast %add3A_1028 : i32 to vector<16xi32>
        %add3A_1030 = arith.addi %iota3A, %add3A_1029 : vector<16xi32>
        tpu.vector_store_idx %arg11[%broadcast_in_dim3A_1026, %add3A_1030], %gather3A_1027 : memref<512x18xf32, #tpu.memory_space<vmem>>[vector<16xi32>, vector<16xi32>], vector<16xf32>,
        %add3A_1031 = arith.constant 2 : i32
        %add3A_1032 = arith.addi %mul3A_1016, %add3A_1031 : i32
        %broadcast_in_dim3A_1033 = vector.broadcast %add3A_1032 : i32 to vector<16xi32>
        %gather3A_1034 = tpu.vector_load_idx %arg10[%broadcast_in_dim3A_1033, %iota3A] : memref<512x16xf32, #tpu.memory_space<vmem>>[vector<16xi32>, vector<16xi32>], vector<16xf32>,
        %add3A_1035 = arith.constant 1 : i32
        %add3A_1036 = vector.broadcast %add3A_1035 : i32 to vector<16xi32>
        %add3A_1037 = arith.addi %iota3A, %add3A_1036 : vector<16xi32>
        tpu.vector_store_idx %arg11[%broadcast_in_dim3A_1033, %add3A_1037], %gather3A_1034 : memref<512x18xf32, #tpu.memory_space<vmem>>[vector<16xi32>, vector<16xi32>], vector<16xf32>,
        %add3A_1038 = arith.constant 3 : i32
        %add3A_1039 = arith.addi %mul3A_1016, %add3A_1038 : i32
        %broadcast_in_dim3A_1040 = vector.broadcast %add3A_1039 : i32 to vector<16xi32>
        %gather3A_1041 = tpu.vector_load_idx %arg10[%broadcast_in_dim3A_1040, %iota3A] : memref<512x16xf32, #tpu.memory_space<vmem>>[vector<16xi32>, vector<16xi32>], vector<16xf32>,
        %add3A_1042 = arith.constant 1 : i32
        %add3A_1043 = vector.broadcast %add3A_1042 : i32 to vector<16xi32>
        %add3A_1044 = arith.addi %iota3A, %add3A_1043 : vector<16xi32>
        tpu.vector_store_idx %arg11[%broadcast_in_dim3A_1040, %add3A_1044], %gather3A_1041 : memref<512x18xf32, #tpu.memory_space<vmem>>[vector<16xi32>, vector<16xi32>], vector<16xf32>,
        %add3A_1045 = arith.constant 4 : i32
        %add3A_1046 = arith.addi %mul3A_1016, %add3A_1045 : i32
        %broadcast_in_dim3A_1047 = vector.broadcast %add3A_1046 : i32 to vector<16xi32>
        %gather3A_1048 = tpu.vector_load_idx %arg10[%broadcast_in_dim3A_1047, %iota3A] : memref<512x16xf32, #tpu.memory_space<vmem>>[vector<16xi32>, vector<16xi32>], vector<16xf32>,
        %add3A_1049 = arith.constant 1 : i32
        %add3A_1050 = vector.broadcast %add3A_1049 : i32 to vector<16xi32>
        %add3A_1051 = arith.addi %iota3A, %add3A_1050 : vector<16xi32>
        tpu.vector_store_idx %arg11[%broadcast_in_dim3A_1047, %add3A_1051], %gather3A_1048 : memref<512x18xf32, #tpu.memory_space<vmem>>[vector<16xi32>, vector<16xi32>], vector<16xf32>,
        %add3A_1052 = arith.constant 5 : i32
        %add3A_1053 = arith.addi %mul3A_1016, %add3A_1052 : i32
        %broadcast_in_dim3A_1054 = vector.broadcast %add3A_1053 : i32 to vector<16xi32>
        %gather3A_1055 = tpu.vector_load_idx %arg10[%broadcast_in_dim3A_1054, %iota3A] : memref<512x16xf32, #tpu.memory_space<vmem>>[vector<16xi32>, vector<16xi32>], vector<16xf32>,
        %add3A_1056 = arith.constant 1 : i32
        %add3A_1057 = vector.broadcast %add3A_1056 : i32 to vector<16xi32>
        %add3A_1058 = arith.addi %iota3A, %add3A_1057 : vector<16xi32>
        tpu.vector_store_idx %arg11[%broadcast_in_dim3A_1054, %add3A_1058], %gather3A_1055 : memref<512x18xf32, #tpu.memory_space<vmem>>[vector<16xi32>, vector<16xi32>], vector<16xf32>,
        %add3A_1059 = arith.constant 6 : i32
        %add3A_1060 = arith.addi %mul3A_1016, %add3A_1059 : i32
        %broadcast_in_dim3A_1061 = vector.broadcast %add3A_1060 : i32 to vector<16xi32>
        %gather3A_1062 = tpu.vector_load_idx %arg10[%broadcast_in_dim3A_1061, %iota3A] : memref<512x16xf32, #tpu.memory_space<vmem>>[vector<16xi32>, vector<16xi32>], vector<16xf32>,
        %add3A_1063 = arith.constant 1 : i32
        %add3A_1064 = vector.broadcast %add3A_1063 : i32 to vector<16xi32>
        %add3A_1065 = arith.addi %iota3A, %add3A_1064 : vector<16xi32>
        tpu.vector_store_idx %arg11[%broadcast_in_dim3A_1061, %add3A_1065], %gather3A_1062 : memref<512x18xf32, #tpu.memory_space<vmem>>[vector<16xi32>, vector<16xi32>], vector<16xf32>,
        %add3A_1066 = arith.constant 7 : i32
        %add3A_1067 = arith.addi %mul3A_1016, %add3A_1066 : i32
        %broadcast_in_dim3A_1068 = vector.broadcast %add3A_1067 : i32 to vector<16xi32>
        %gather3A_1069 = tpu.vector_load_idx %arg10[%broadcast_in_dim3A_1068, %iota3A] : memref<512x16xf32, #tpu.memory_space<vmem>>[vector<16xi32>, vector<16xi32>], vector<16xf32>,
        %add3A_1070 = arith.constant 1 : i32
        %add3A_1071 = vector.broadcast %add3A_1070 : i32 to vector<16xi32>
        %add3A_1072 = arith.addi %iota3A, %add3A_1071 : vector<16xi32>
        tpu.vector_store_idx %arg11[%broadcast_in_dim3A_1068, %add3A_1072], %gather3A_1069 : memref<512x18xf32, #tpu.memory_space<vmem>>[vector<16xi32>, vector<16xi32>], vector<16xf32>,
      }
      %scan3A_1013 = arith.constant 64 : i32
      "tpu.region"() ({
        %run_scoped3A = tpu.sem_alloc : memref<!tpu.dma_semaphore, #tpu.memory_space<semaphore_mem>>
        %dma_start3A_1014 = arith.constant 0 : i32
        %dma_start3A_1015 = tpu.memref_slice %arg5[%add3A_17, %dma_start3A_1014] : memref<819200x82xf32, #tpu.memory_space<hbm>> -> memref<512x64xf32, #tpu.memory_space<hbm>>
        %dma_start3A_1016 = arith.constant 0 : i32
        %dma_start3A_1017 = tpu.memref_slice %arg5[%add3A_17, %dma_start3A_1016] : memref<819200x82xf32, #tpu.memory_space<hbm>> -> memref<512x64xf32, #tpu.memory_space<hbm>>
        tpu.enqueue_dma source(%arg9 : memref<512x64xf32, #tpu.memory_space<vmem>>) target(%dma_start3A_1017 : memref<512x64xf32, #tpu.memory_space<hbm>>) target_semaphore(%run_scoped3A : memref<!tpu.dma_semaphore, #tpu.memory_space<semaphore_mem>>)
        %dma_wait3A_1018 = arith.constant 0 : i32
        %dma_wait3A_1019 = tpu.memref_slice %arg5[%add3A_17, %dma_wait3A_1018] : memref<819200x82xf32, #tpu.memory_space<hbm>> -> memref<512x64xf32, #tpu.memory_space<hbm>>
        %dma_wait3A_1020 = arith.constant 0 : i32
        %dma_wait3A_1021 = tpu.memref_slice %arg5[%add3A_17, %dma_wait3A_1020] : memref<819200x82xf32, #tpu.memory_space<hbm>> -> memref<512x64xf32, #tpu.memory_space<hbm>>
        tpu.wait_dma2 semaphore(%run_scoped3A : memref<!tpu.dma_semaphore, #tpu.memory_space<semaphore_mem>>) src(%arg9 : memref<512x64xf32, #tpu.memory_space<vmem>>) dst(%dma_wait3A_1021 : memref<512x64xf32, #tpu.memory_space<hbm>>)
        tpu.yield
      }) : () -> ()
      "tpu.region"() ({
        %run_scoped3A = tpu.sem_alloc : memref<!tpu.dma_semaphore, #tpu.memory_space<semaphore_mem>>
        %dma_start3A_1014 = arith.constant 64 : i32
        %dma_start3A_1015 = tpu.memref_slice %arg5[%add3A_17, %dma_start3A_1014] : memref<819200x82xf32, #tpu.memory_space<hbm>> -> memref<512x18xf32, #tpu.memory_space<hbm>>
        %dma_start3A_1016 = arith.constant 64 : i32
        %dma_start3A_1017 = tpu.memref_slice %arg5[%add3A_17, %dma_start3A_1016] : memref<819200x82xf32, #tpu.memory_space<hbm>> -> memref<512x18xf32, #tpu.memory_space<hbm>>
        tpu.enqueue_dma source(%arg11 : memref<512x18xf32, #tpu.memory_space<vmem>>) target(%dma_start3A_1017 : memref<512x18xf32, #tpu.memory_space<hbm>>) target_semaphore(%run_scoped3A : memref<!tpu.dma_semaphore, #tpu.memory_space<semaphore_mem>>)
        %dma_wait3A_1018 = arith.constant 64 : i32
        %dma_wait3A_1019 = tpu.memref_slice %arg5[%add3A_17, %dma_wait3A_1018] : memref<819200x82xf32, #tpu.memory_space<hbm>> -> memref<512x18xf32, #tpu.memory_space<hbm>>
        %dma_wait3A_1020 = arith.constant 64 : i32
        %dma_wait3A_1021 = tpu.memref_slice %arg5[%add3A_17, %dma_wait3A_1020] : memref<819200x82xf32, #tpu.memory_space<hbm>> -> memref<512x18xf32, #tpu.memory_space<hbm>>
        tpu.wait_dma2 semaphore(%run_scoped3A : memref<!tpu.dma_semaphore, #tpu.memory_space<semaphore_mem>>) src(%arg11 : memref<512x18xf32, #tpu.memory_space<vmem>>) dst(%dma_wait3A_1021 : memref<512x18xf32, #tpu.memory_space<hbm>>)
        tpu.yield
      }) : () -> ()
    }
    %scan3A_13 = arith.constant 50 : i32
    return
  }
}

</mosaic_0001>

<sc_bundles>
// kernel: kernel.3.cloned.1.call-start
scs
__scs_entry_jumppad:
0x0: {  	(pc) =	sbr.rel $0x88, $3  }
0x1: {  	(tag) =	ssettag $0x0;
	lr =	simm.s32 $0x1  }
0x2: {  	[smem:$0x3F9E] =	sst lr;
	_ =	strace $0xD0000000  }
0x3: {  	_ = 	snop  }
0x4: {  	_ = 	snop  }
0x5: {  	_ = 	snop  }
0x6: {  	_ = 	snop  }
0x7: {  	_ = 	snop  }
__scs_overlays_trampoline_lowered:
0x8: {  	[smem:$0x3FAD] =	sst s0  }
0x9: {  	[smem:$0x3FAE] =	sst s1  }
0xa: {  	[smem:$0x3FAF] =	sst s2  }
0xb: {  	[smem:$0x3FB0] =	sst s3  }
0xc: {  	[smem:$0x3FB1] =	sst s4  }
0xd: {  	[smem:$0x3FB2] =	sst s5  }
0xe: {  	[smem:$0x3FB3] =	sst s6  }
0xf: {  	[smem:$0x3FB4] =	sst s7  }
0x10: {  	[smem:$0x3FB5] =	sst s8  }
0x11: {  	[smem:$0x3FB6] =	sst s9;
	s0 =	simm.s32 @!p0 $0x0  }
0x12: {  	s1 =	sld [smem:$0x3F9C];
	s0 =	simm.s32 @p0 $0x1  }
0x13: {  	[smem:$0x3FB7] =	sst s0;
	s0 =	simm.s32 @!p1 $0x0  }
0x14: {  	s2 =	sld [smem:$0x3F9B];
	s0 =	simm.s32 @p1 $0x1  }
0x15: {  	[smem:$0x3FB8] =	sst s0;
	s0 =	simm.s32 @!p2 $0x0  }
0x16: {  	s3 =	sld [smem:$0x3FDB];
	s0 =	simm.s32 @p2 $0x1  }
0x17: {  	s4 =	simm.s32 $0x1BF5;
	[smem:$0x3FBA] =	sst s0  }
0x18: {  	s0 =	sld [smem:$0x3F9D];
	_ =	swait.ge [sflag:s4], $0x0  }
0x19: {  	s7 =	sld [smem:$0x3F9E]  }
0x1a: {  	s8 =	sadd.s32 $0xFFFFE003, lr  }
0x1b: {  	s9 =	sadd.s32 $0xFFFFFEF7, lr;
	s5 =	simm.s32 $0xFFFFFFFF;
	p2 =	slt.u32 s8, $0xFFFFF086  }
0x1c: {  	p1 =	slt.u32 s9, $0xF7A;
	s5 =	simm.s32 @!p2 $0x0  }
0x1d: {  	s5 =	simm.s32 @p1 $0x1;
	p0 =	seq.s32 s7, s2  }
0x1e: {  	s7 =	smul.u32 @!p0 $0xF7A, s2;
	p2 =	seq.s32 @!p0 s5, $0x0  }
0x1f: {  	s9 =	smul.u32 $0xF7A, s1;
	s8 =	simm.s32 @!p0 $0x1BF5;
	p2 =	por !p2, p0  }
0x20: {  	[sflag:s8] =	ssyncset.s32 @!p0 $0xFFFFF086;
	s6 =	sadd.s32 @!p0 s3, s7;
	s7 =	simm.s32 @!p0 $0x108  }
0x21: {  	s3 =	sadd.s32 s3, s9;
	s6 =	sadd.s32 @!p0 $0x88, s6;
	s7 =	simm.s32 @p2 $0x1082  }
0x22: {  	[simem:s7], [sflag:s8] =	dma.local @!p0 [hbm:s6], $0xF7A  }
0x23: {  	s9 =	sor.u32 $0xD0000000, s2;
	s6 =	simm.s32 $0x108;
	_ =	swait.ge @!p0 [sflag:s8], $0x0  }
0x24: {  	s3 =	sadd.s32 $0x88, s3;
	s6 =	simm.s32 @!p1 $0x1082;
	[sflag:s4] =	ssyncset.s32 $0xFFFFF086  }
0x25: {  	[simem:s6], [sflag:s4] =	dma.local [hbm:s3], $0xF7A  }
0x26: {  	[smem:$0x3F9E] =	sst s1;
	(tag) =	ssettag s2;
	_ =	strace s9  }
0x27: {  	s1 =	sld [smem:$0x3FAE]  }
0x28: {  	s2 =	sld [smem:$0x3FAF]  }
0x29: {  	s4 =	sld [smem:$0x3FB1]  }
0x2a: {  	p0 =	seq.s32 s5, $0x0;
	s5 =	sld [smem:$0x3FB2]  }
0x2b: {  	s6 =	sld [smem:$0x3FB3]  }
0x2c: {  	s7 =	sld [smem:$0x3FB4]  }
0x2d: {  	s3 =	simm.s32 $0x108;
	s8 =	sld [smem:$0x3FB5]  }
0x2e: {  	s3 =	simm.s32 @!p0 $0x1082;
	s9 =	sld [smem:$0x3FB6]  }
0x2f: {  	lr =	sadd.s32 s0, s3;
	s0 =	sld [smem:$0x3FAD]  }
0x30: {  	s3 =	sld [smem:$0x3FB0]  }
0x31: {  	[smem:$0x3FB9] =	sst s10  }
0x32: {  	s10 =	sld [smem:$0x3FB7];
	_ =	sdelay $0x3  }
0x33: {  	p0 =	seq.s32 s10, $0x1;
	s10 =	sld [smem:$0x3FB9];
	_ =	sdelay $0x3  }
0x34: {  	[smem:$0x3FB9] =	sst s10  }
0x35: {  	s10 =	sld [smem:$0x3FB8];
	_ =	sdelay $0x3  }
0x36: {  	p1 =	seq.s32 s10, $0x1;
	s10 =	sld [smem:$0x3FB9];
	_ =	sdelay $0x3  }
0x37: {  	[smem:$0x3FB9] =	sst s10  }
0x38: {  	s10 =	sld [smem:$0x3FBA]  }
0x39: {  	_ = 	snop;
	(pc) =	sbr.ind lr, $3  }
0x3a: {  	_ = 	snop  }
0x3b: {  	_ = 	snop  }
0x3c: {  	p2 =	seq.s32 s10, $0x1;
	s10 =	sld [smem:$0x3FB9]  }
0x3d: {  	_ =	shalt  }
0x3e: {  	_ =	shalt  }
0x3f: {  	_ =	shalt  }
0x40: {  	_ =	shalt  }
0x41: {  	_ =	shalt  }
0x42: {  	_ =	shalt  }
0x43: {  	_ =	shalt  }
0x44: {  	_ =	shalt  }
0x45: {  	_ =	shalt  }
0x46: {  	_ =	shalt  }
0x47: {  	_ =	shalt  }
0x48: {  	_ =	shalt  }
0x49: {  	_ =	shalt  }
0x4a: {  	_ =	shalt  }
0x4b: {  	_ =	shalt  }
0x4c: {  	_ =	shalt  }
0x4d: {  	_ =	shalt  }
0x4e: {  	_ =	shalt  }
0x4f: {  	_ =	shalt  }
0x50: {  	_ =	shalt  }
0x51: {  	_ =	shalt  }
0x52: {  	_ =	shalt  }
0x53: {  	_ =	shalt  }
0x54: {  	_ =	shalt  }
0x55: {  	_ =	shalt  }
0x56: {  	_ =	shalt  }
0x57: {  	_ =	shalt  }
0x58: {  	_ =	shalt  }
0x59: {  	_ =	shalt  }
0x5a: {  	_ =	shalt  }
0x5b: {  	_ =	shalt  }
0x5c: {  	_ =	shalt  }
0x5d: {  	_ =	shalt  }
0x5e: {  	_ =	shalt  }
0x5f: {  	_ =	shalt  }
0x60: {  	_ =	shalt  }
0x61: {  	_ =	shalt  }
0x62: {  	_ =	shalt  }
0x63: {  	_ =	shalt  }
0x64: {  	_ =	shalt  }
0x65: {  	_ =	shalt  }
0x66: {  	_ =	shalt  }
0x67: {  	_ =	shalt  }
0x68: {  	_ =	shalt  }
0x69: {  	_ =	shalt  }
0x6a: {  	_ =	shalt  }
0x6b: {  	_ =	shalt  }
0x6c: {  	_ =	shalt  }
0x6d: {  	_ =	shalt  }
0x6e: {  	_ =	shalt  }
0x6f: {  	_ =	shalt  }
0x70: {  	_ =	shalt  }
0x71: {  	_ =	shalt  }
0x72: {  	_ =	shalt  }
0x73: {  	_ =	shalt  }
0x74: {  	_ =	shalt  }
0x75: {  	_ =	shalt  }
0x76: {  	_ =	shalt  }
0x77: {  	_ =	shalt  }
0x78: {  	_ =	shalt  }
0x79: {  	_ =	shalt  }
0x7a: {  	_ =	shalt  }
0x7b: {  	_ =	shalt  }
0x7c: {  	_ =	shalt  }
0x7d: {  	_ =	shalt  }
0x7e: {  	_ =	shalt  }
0x7f: {  	_ =	shalt  }
0x80: {  	_ =	shalt  }
0x81: {  	_ =	shalt  }
0x82: {  	_ =	shalt  }
0x83: {  	_ =	shalt  }
0x84: {  	_ =	shalt  }
0x85: {  	_ =	shalt  }
0x86: {  	_ =	shalt  }
0x87: {  	_ =	shalt  }
.Lfunc_end0:
.L_simem_size_0:
called_computation.1_lowered:
.L_overlay_start_0:
0x88: {  	s2 =	sld [smem:$0x3FD9]  }
0x89: {  	s3 =	sld [smem:$0x3FFE];
	_ =	sdelay $0x1  }
0x8a: {  	s1 =	srdreg.scid  }
0x8b: {  	s0 =	sand.u32 $0x1, s1  }
0x8c: {  	s17 =	sshll.u32 s0, $0xA;
	s2 =	sadd.s32 s3, s2  }
0x8d: {  	s2 =	sadd.s32 s2, s17  }
0x8e: {  	[smem:$0x3FC5] =	sst s2  }
0x8f: {  	_ = 	snop  }
0x90: {  	s2 =	sld [smem:$0x3FD0];
	(tm) =	ssettm $0x1  }
0x91: {  	s18 =	sld [smem:$0x3FFB];
	_ =	sdelay $0x3  }
0x92: {  	_ =	strace s18  }
0x93: {  	s3 =	sld [smem:$0x3FFC];
	_ =	sdelay $0x3  }
0x94: {  	_ =	strace s3  }
0x95: {  	s3 =	sld [smem:$0x3FFD];
	_ =	sdelay $0x3  }
0x96: {  	_ =	strace s3  }
0x97: {  	_ =	strace $0x8FFFFFFF  }
0x98: {  	s19 =	sld [smem:$0x3FDB];
	_ =	sdelay $0x1  }
0x99: {  	s4 =	simm.s32 $_scs_section_size  }
0x9a: {  	s5 =	simm.s32 $_size__tile_overlayer_lowered;
	s6 =	simm.s32 $_tile_overlayer_lowered  }
0x9b: {  	s22 =	simm.s32 $0x1BFF;
	s21 =	sshll.u32 s6, $0x1;
	s3 =	sadd.s32 s4, s19  }
0x9c: {  	s7 =	simm.s32 $0x0;
	s20 =	sshll.u32 s5, $0x1;
	s5 =	sadd.s32 s21, s3  }
0x9d: {  	[timem:s7], [sflag:s22] =	dma.local [hbm:s5], s20  }
0x9e: {  	_ =	swait.ge [sflag:s22], s20  }
0x9f: {  	s4 =	ssub.s32 $0x0, s20;
	[sflag:s22] =	ssyncset.done $0x0  }
0xa0: {  	[sflag:s22] =	ssyncadd.s32 s4;
	_ =	sdelay $0x1  }
0xa1: {  	s23 =	simm.s32 $0x1B8B  }
0xa2: {  	_ =	swait.ge [sflag:s23], $0x1  }
0xa3: {  	[sflag:s23] =	ssyncset.done $0x0  }
0xa4: {  	s25 =	simm.s32 $0x1B8E;
	s24 =	sld [smem:$0x3FFE];
	[sflag:s23] =	ssyncadd.s32 $0xFFFFFFFF  }
0xa5: {  	s26 =	simm.s32 $execute0_lowered;
	[smem:$0x3FD2] =	sst s25  }
0xa6: {  	s5 =	sshll.u32 s26, $0x1;
	_ =	strace $0x80000046;
	[dreg:$0x1] =	wrdreg $0xFFFFFFFF  }
0xa7: {  	s28 =	simm.s32 $_size_execute0_lowered;
	s3 =	sadd.s32 s3, s5;
	[dreg:$0x0] =	wrdreg $0x0  }
0xa8: {  	s5 =	sshll.u32 s28, $0x1;
	[dreg:$0x2] =	wrdreg s3  }
0xa9: {  	[dreg:$0x3] =	wrdreg s5  }
0xaa: {  	[dreg:$0x4] =	wrdreg $0xC0  }
0xab: {  	_ =	task [dreg:s7], $0x5FFFF  }
0xac: {  	[dreg:$0x1] =	wrdreg $0xFFFFFFFF  }
0xad: {  	[dreg:$0x0] =	wrdreg $0x60  }
0xae: {  	[dreg:$0x2] =	wrdreg s2  }
0xaf: {  	[dreg:$0x3] =	wrdreg s24  }
0xb0: {  	[dreg:$0x4] =	wrdreg $0x9  }
0xb1: {  	_ =	task.clear_ibuf [dreg:s7], $0x5FFFF;
	_ =	strace $0x90000046  }
0xb2: {  	s29 =	simm.s32 $0x9;
	_ =	strace $0x80000048  }
0xb3: {  	_ =	swait.ge [sflag:s29], $0x1  }
0xb4: {  	[sflag:s29] =	ssyncadd.s32 $0xFFFFFFFF  }
0xb5: {  	_ =	strace $0x90000048  }
0xb6: {  	_ =	sfence  }
0xb7: {  	s30 =	sld [smem:$0x0];
	_ =	sdelay $0x2  }
0xb8: {  	s31 =	sshll.u32 s1, $0xD;
	s1 =	sshrl.u32 s1, $0x2  }
0xb9: {  	s3 =	sand.u32 $0x4000, s31;
	s1 =	sadd.s32 s1, s30  }
0xba: {  	s0 =	sor.u32 s3, s0;
	s1 =	sshll.u32 s1, $0x11  }
0xbb: {  	s0 =	sor.u32 s1, s0  }
0xbc: {  	s0 =	sadd.s32 $0x8F2B, s0  }
0xbd: {  	[sflag:s0] =	ssyncadd.remote.s32 $0x1  }
0xbe: {  	_ =	sfence.sel $0xFFFF  }
0xbf: {  	[dreg:$0x0] =	wrdreg $0xFFFFFFFF;
	(pc) =	sbr.abs _section_cstart, $3  }
0xc0: {  	[dreg:$0x1] =	wrdreg $0xFFFFFFFF  }
0xc1: {  	_ =	task.clear_ibuf [dreg:s7], $0x2FFFF;
	_ =	strace $0x9FFFFFFF  }
0xc2: {  	(tm) =	ssettm $0x7FFFFFFF  }
0xc3: {  	_ =	shalt  }
tec
execute0_lowered:
.L_overlay_start_1:
0x0: {  	(tag) =	ssettag $0x1  }
0x1: {  	v0 =	vlaneseq.u32  }
0x2: {  	v1 =	vmul.u32 $0x4, v0;
	v2 =	vmul.u32 $0x18, v0;
	v11 =	vor.u32 $0x10, v0  }
0x3: {  	v18 =	vor.u32 $0x20, v0;
	v25 =	vor.u32 $0x30, v0;
	v32 =	vor.u32 $0x40, v0  }
0x4: {  	v39 =	vor.u32 $0x50, v0;
	v46 =	vor.u32 $0x60, v0;
	v53 =	vor.u32 $0x70, v0  }
0x5: {  	v60 =	vor.u32 $0x80, v0;
	v3 =	vor.u32 $0x1, v1;
	v12 =	vadd.s32 $0x180, v2  }
0x6: {  	v13 =	vadd.s32 $0x191, v2;
	v14 =	vor.u32 $0x80, v1;
	v15 =	vor.u32 $0x81, v1  }
0x7: {  	v16 =	vor.u32 $0x82, v1;
	v17 =	vor.u32 $0x83, v1;
	v19 =	vadd.s32 $0x300, v2  }
0x8: {  	v20 =	vadd.s32 $0x311, v2;
	v21 =	vor.u32 $0xC0, v1;
	v22 =	vor.u32 $0xC1, v1  }
0x9: {  	s0 =	rddreg [dreg:$0x1];
	v23 =	vor.u32 $0xC2, v1;
	v24 =	vor.u32 $0xC3, v1;
	v26 =	vadd.s32 $0x480, v2  }
0xa: {  	s2 =	simm.s32 $0x0;
	s1 =	srdreg.scid;
	s6 =	stileid.u32;
	v27 =	vadd.s32 $0x491, v2;
	v28 =	vor.u32 $0x100, v1;
	v29 =	vor.u32 $0x101, v1  }
0xb: {  	s10 =	simm.s32 $0x2;
	s11 =	simm.s32 $0x800;
	s12 =	simm.s32 $0xA00;
	v30 =	vor.u32 $0x102, v1;
	v31 =	vor.u32 $0x103, v1;
	v33 =	vor.u32 $0x600, v2  }
0xc: {  	s13 =	simm.s32 $0xAC00;
	s14 =	simm.s32 $0x80;
	s15 =	simm.s32 $0xC00;
	v34 =	vadd.s32 $0x611, v2;
	v35 =	vor.u32 $0x140, v1;
	v36 =	vor.u32 $0x141, v1  }
0xd: {  	s16 =	simm.s32 $0x8C00;
	s20 =	simm.s32 $0x9400;
	s21 =	simm.s32 $0x900;
	v37 =	vor.u32 $0x142, v1;
	v38 =	vor.u32 $0x143, v1;
	v40 =	vadd.s32 $0x780, v2  }
0xe: {  	s22 =	simm.s32 $0x4C00;
	s23 =	simm.s32 $0xB00;
	s24 =	simm.s32 $0x9C00;
	v41 =	vadd.s32 $0x791, v2;
	v42 =	vor.u32 $0x180, v1;
	[tilespmem:$0x1FF80] =	vst v3;
	v3 =	vor.u32 $0x2, v1  }
0xf: {  	s25 =	simm.s32 $0x980;
	s28 =	simm.s32 $0xB80;
	s29 =	simm.s32 $0xA400;
	v43 =	vor.u32 $0x181, v1;
	v44 =	vor.u32 $0x182, v1;
	[tilespmem:$0x1FF90] =	vst v3;
	v3 =	vor.u32 $0x3, v1  }
0x10: {  	s30 =	simm.s32 $0x1;
	s31 =	simm.s32 $0x40;
	s9 =	simm.s32 $0x0;
	v45 =	vor.u32 $0x183, v1;
	v47 =	vadd.s32 $0x900, v2;
	[tilespmem:$0x1FFA0] =	vst v3;
	v3 =	vadd.s32 $0x11, v2  }
0x11: {  	[smem:$0x7FF] =	sst s2;
	s1 =	sand.u32 $0x1, s1;
	s4 =	sadd.s32 $0x1A00, s0;
	v48 =	vadd.s32 $0x911, v2;
	v49 =	vor.u32 $0x1C0, v1;
	[tilespmem:$0x1FFB0] =	vst v3;
	v3 =	vor.u32 $0x40, v1  }
0x12: {  	s5 =	sadd.s32 $0xC5000, s0;
	s8 =	sshll.u32 s6, $0x1;
	s3 =	ssub.s32 $0x2, s1;
	v50 =	vor.u32 $0x1C1, v1;
	v51 =	vor.u32 $0x1C2, v1;
	[tilespmem:$0x1FFC0] =	vst v3;
	v3 =	vor.u32 $0x41, v1  }
0x13: {  	s6 =	sadd.s32 $0xF5E00, s0;
	s1 =	sor.u32 s1, s8;
	s7 =	sshrl.u32 s3, $0x1;
	v52 =	vor.u32 $0x1C3, v1;
	v54 =	vadd.s32 $0xA80, v2;
	[tilespmem:$0x1FFD0] =	vst v3;
	v3 =	vor.u32 $0x42, v1  }
0x14: {  	s8 =	sadd.s32 $0xF5E08, s0;
	v55 =	vadd.s32 $0xA91, v2;
	v56 =	vor.u32 $0x200, v1;
	s3 =	ssub.s32 s3, s7;
	s7 =	smul.u32 $0x6400, s1;
	[tilespmem:$0x1FFE0] =	vst v3;
	v3 =	vor.u32 $0x43, v1  }
0x15: {  	v57 =	vor.u32 $0x201, v1;
	v58 =	vor.u32 $0x202, v1;
	v59 =	vor.u32 $0x203, v1;
	s1 =	simm.s32 $0x58;
	s26 =	smax.u32 s3, $0x1;
	s3 =	simm.s32 $0x18;
	[tilespmem:$0x1FFF0] =	vst v3  }
0x16: {  	v61 =	vor.u32 $0xC00, v2;
	v62 =	vadd.s32 $0xC11, v2;
	v63 =	vor.u32 $0x240, v1;
	_ =	strace $0x80000047;
	[dreg:$0x3] =	wrdreg s26;
	s26 =	simm.s32 $0x6C00  }
.LBB2_1:
0x17: {  	[dreg:$0x4] =	wrdreg s9;
	s9 =	simm.s32 $0x0  }
.LBB2_2:
0x18: {  	s0 =	sshll.u32 s9, $0x9  }
0x19: {  	s0 =	sadd.s32 s7, s0  }
0x1a: {  	s18 =	rddreg [dreg:$0x0];
	s17 =	sshrl.u32 s0, $0x1  }
0x1b: {  	s17 =	sadd.s32 s18, s17  }
0x1c: {  	[tilespmem:s2], [sflag:$0x2] =	stream.linear.gather [hbm4b:s17+s2], $0x800, $0x38;
	[tilespmem:$0xDC00] =	vst v63  }
0x1d: {  	_ =	swait.ge [sflag:s10], $0x800  }
0x1e: {  	v4 =	vld [tilespmem:$0x1FF90]  }
0x1f: {  	[sflag:s10] =	ssyncset.done $0x0;
	v5 =	vld [tilespmem:$0x1FF80]  }
0x20: {  	v6 =	vld [tilespmem:$0x1FFA0];
	[sflag:s10] =	ssyncadd.s32 $0xFFFFF800  }
0x21: {  	v3 =	vld.idx.msk [tilespmem:v1+s2+$0x0], $0xffff;
	_ =	sdelay $0x4  }
0x22: {  	v3 =	vtrunc.f32 v3;
	v4 =	vld.idx.msk [tilespmem:v4+s2+$0x0], $0xffff  }
0x23: {  	v5 =	vld.idx.msk [tilespmem:v5+s2+$0x0], $0xffff;
	v3 =	vcvt.f32.s32 v3  }
0x24: {  	v6 =	vld.idx.msk [tilespmem:v6+s2+$0x0], $0xffff  }
0x25: {  	[tilespmem:v0+s11+$0x0] =	vst.idx.msk $0xffff, v3;
	v3 =	vld [tilespmem:$0x1FFB0];
	_ =	sdelay $0x2  }
0x26: {  	v4 =	vtrunc.f32 v4  }
0x27: {  	v4 =	vcvt.f32.s32 v4;
	_ =	sdelay $0x1  }
0x28: {  	[tilespmem:v0+s12+$0x0] =	vst.idx.msk $0xffff, v4  }
0x29: {  	[tilespmem:v2+s13+$0x0] =	vst.idx.msk $0xffff, v5  }
0x2a: {  	[tilespmem:v3+s13+$0x0] =	vst.idx.msk $0xffff, v6;
	v3 =	vld [tilespmem:$0x1FFC0]  }
0x2b: {  	v4 =	vld [tilespmem:$0x1FFE0];
	_ =	sdelay $0x3  }
0x2c: {  	v5 =	vld [tilespmem:$0x1FFD0]  }
0x2d: {  	v6 =	vld [tilespmem:$0x1FFF0];
	_ =	sdelay $0x1  }
0x2e: {  	v3 =	vld.idx.msk [tilespmem:v3+s2+$0x0], $0xffff  }
0x2f: {  	v4 =	vld.idx.msk [tilespmem:v4+s2+$0x0], $0xffff;
	_ =	sdelay $0x3  }
0x30: {  	v5 =	vld.idx.msk [tilespmem:v5+s2+$0x0], $0xffff;
	v3 =	vtrunc.f32 v3  }
0x31: {  	v6 =	vld.idx.msk [tilespmem:v6+s2+$0x0], $0xffff;
	v4 =	vtrunc.f32 v4;
	v3 =	vcvt.f32.s32 v3  }
0x32: {  	v4 =	vcvt.f32.s32 v4  }
0x33: {  	[tilespmem:v11+s11+$0x0] =	vst.idx.msk $0xffff, v3  }
0x34: {  	[tilespmem:v11+s12+$0x0] =	vst.idx.msk $0xffff, v4  }
0x35: {  	[tilespmem:v12+s13+$0x0] =	vst.idx.msk $0xffff, v5  }
0x36: {  	[tilespmem:v13+s13+$0x0] =	vst.idx.msk $0xffff, v6  }
0x37: {  	v3 =	vld.idx.msk [tilespmem:v14+s2+$0x0], $0xffff  }
0x38: {  	v4 =	vld.idx.msk [tilespmem:v16+s2+$0x0], $0xffff;
	_ =	sdelay $0x3  }
0x39: {  	v5 =	vld.idx.msk [tilespmem:v15+s2+$0x0], $0xffff;
	v3 =	vtrunc.f32 v3  }
0x3a: {  	v6 =	vld.idx.msk [tilespmem:v17+s2+$0x0], $0xffff;
	v4 =	vtrunc.f32 v4;
	v3 =	vcvt.f32.s32 v3  }
0x3b: {  	v4 =	vcvt.f32.s32 v4  }
0x3c: {  	[tilespmem:v18+s11+$0x0] =	vst.idx.msk $0xffff, v3  }
0x3d: {  	[tilespmem:v18+s12+$0x0] =	vst.idx.msk $0xffff, v4  }
0x3e: {  	[tilespmem:v19+s13+$0x0] =	vst.idx.msk $0xffff, v5  }
0x3f: {  	[tilespmem:v20+s13+$0x0] =	vst.idx.msk $0xffff, v6  }
0x40: {  	v3 =	vld.idx.msk [tilespmem:v21+s2+$0x0], $0xffff  }
0x41: {  	v4 =	vld.idx.msk [tilespmem:v23+s2+$0x0], $0xffff;
	_ =	sdelay $0x3  }
0x42: {  	v5 =	vld.idx.msk [tilespmem:v22+s2+$0x0], $0xffff;
	v3 =	vtrunc.f32 v3  }
0x43: {  	v6 =	vld.idx.msk [tilespmem:v24+s2+$0x0], $0xffff;
	v4 =	vtrunc.f32 v4;
	v3 =	vcvt.f32.s32 v3  }
0x44: {  	v4 =	vcvt.f32.s32 v4  }
0x45: {  	[tilespmem:v25+s11+$0x0] =	vst.idx.msk $0xffff, v3  }
0x46: {  	[tilespmem:v25+s12+$0x0] =	vst.idx.msk $0xffff, v4  }
0x47: {  	[tilespmem:v26+s13+$0x0] =	vst.idx.msk $0xffff, v5  }
0x48: {  	[tilespmem:v27+s13+$0x0] =	vst.idx.msk $0xffff, v6  }
0x49: {  	v3 =	vld.idx.msk [tilespmem:v28+s2+$0x0], $0xffff  }
0x4a: {  	v4 =	vld.idx.msk [tilespmem:v30+s2+$0x0], $0xffff;
	_ =	sdelay $0x3  }
0x4b: {  	v5 =	vld.idx.msk [tilespmem:v29+s2+$0x0], $0xffff;
	v3 =	vtrunc.f32 v3  }
0x4c: {  	v6 =	vld.idx.msk [tilespmem:v31+s2+$0x0], $0xffff;
	v4 =	vtrunc.f32 v4;
	v3 =	vcvt.f32.s32 v3  }
0x4d: {  	v4 =	vcvt.f32.s32 v4  }
0x4e: {  	[tilespmem:v32+s11+$0x0] =	vst.idx.msk $0xffff, v3  }
0x4f: {  	[tilespmem:v32+s12+$0x0] =	vst.idx.msk $0xffff, v4  }
0x50: {  	[tilespmem:v33+s13+$0x0] =	vst.idx.msk $0xffff, v5  }
0x51: {  	[tilespmem:v34+s13+$0x0] =	vst.idx.msk $0xffff, v6  }
0x52: {  	v3 =	vld.idx.msk [tilespmem:v35+s2+$0x0], $0xffff  }
0x53: {  	v4 =	vld.idx.msk [tilespmem:v37+s2+$0x0], $0xffff;
	_ =	sdelay $0x3  }
0x54: {  	v5 =	vld.idx.msk [tilespmem:v36+s2+$0x0], $0xffff;
	v3 =	vtrunc.f32 v3  }
0x55: {  	v6 =	vld.idx.msk [tilespmem:v38+s2+$0x0], $0xffff;
	v4 =	vtrunc.f32 v4;
	v3 =	vcvt.f32.s32 v3  }
0x56: {  	v4 =	vcvt.f32.s32 v4  }
0x57: {  	[tilespmem:v39+s11+$0x0] =	vst.idx.msk $0xffff, v3  }
0x58: {  	[tilespmem:v39+s12+$0x0] =	vst.idx.msk $0xffff, v4  }
0x59: {  	[tilespmem:v40+s13+$0x0] =	vst.idx.msk $0xffff, v5  }
0x5a: {  	[tilespmem:v41+s13+$0x0] =	vst.idx.msk $0xffff, v6  }
0x5b: {  	v3 =	vld.idx.msk [tilespmem:v42+s2+$0x0], $0xffff  }
0x5c: {  	v4 =	vld.idx.msk [tilespmem:v44+s2+$0x0], $0xffff;
	_ =	sdelay $0x3  }
0x5d: {  	v5 =	vld.idx.msk [tilespmem:v43+s2+$0x0], $0xffff;
	v3 =	vtrunc.f32 v3  }
0x5e: {  	v6 =	vld.idx.msk [tilespmem:v45+s2+$0x0], $0xffff;
	v4 =	vtrunc.f32 v4;
	v3 =	vcvt.f32.s32 v3  }
0x5f: {  	v4 =	vcvt.f32.s32 v4  }
0x60: {  	[tilespmem:v46+s11+$0x0] =	vst.idx.msk $0xffff, v3  }
0x61: {  	[tilespmem:v46+s12+$0x0] =	vst.idx.msk $0xffff, v4  }
0x62: {  	[tilespmem:v47+s13+$0x0] =	vst.idx.msk $0xffff, v5  }
0x63: {  	[tilespmem:v48+s13+$0x0] =	vst.idx.msk $0xffff, v6  }
0x64: {  	v3 =	vld.idx.msk [tilespmem:v49+s2+$0x0], $0xffff  }
0x65: {  	v4 =	vld.idx.msk [tilespmem:v51+s2+$0x0], $0xffff;
	_ =	sdelay $0x3  }
0x66: {  	v5 =	vld.idx.msk [tilespmem:v50+s2+$0x0], $0xffff;
	v3 =	vtrunc.f32 v3  }
0x67: {  	v6 =	vld.idx.msk [tilespmem:v52+s2+$0x0], $0xffff;
	v4 =	vtrunc.f32 v4;
	v3 =	vcvt.f32.s32 v3  }
0x68: {  	v4 =	vcvt.f32.s32 v4  }
0x69: {  	[tilespmem:v53+s11+$0x0] =	vst.idx.msk $0xffff, v3  }
0x6a: {  	[tilespmem:v53+s12+$0x0] =	vst.idx.msk $0xffff, v4  }
0x6b: {  	[tilespmem:v54+s13+$0x0] =	vst.idx.msk $0xffff, v5  }
0x6c: {  	[tilespmem:v55+s13+$0x0] =	vst.idx.msk $0xffff, v6  }
0x6d: {  	v3 =	vld.idx.msk [tilespmem:v56+s2+$0x0], $0xffff  }
0x6e: {  	v4 =	vld.idx.msk [tilespmem:v58+s2+$0x0], $0xffff;
	_ =	sdelay $0x3  }
0x6f: {  	v5 =	vld.idx.msk [tilespmem:v57+s2+$0x0], $0xffff;
	v3 =	vtrunc.f32 v3  }
0x70: {  	v6 =	vld.idx.msk [tilespmem:v59+s2+$0x0], $0xffff;
	v4 =	vtrunc.f32 v4;
	v3 =	vcvt.f32.s32 v3  }
0x71: {  	v4 =	vcvt.f32.s32 v4  }
0x72: {  	[tilespmem:v60+s11+$0x0] =	vst.idx.msk $0xffff, v3;
	v3 =	vor.u32 $0x242, v1  }
0x73: {  	[tilespmem:v60+s12+$0x0] =	vst.idx.msk $0xffff, v4  }
0x74: {  	[tilespmem:v61+s13+$0x0] =	vst.idx.msk $0xffff, v5  }
0x75: {  	[tilespmem:v62+s13+$0x0] =	vst.idx.msk $0xffff, v6  }
0x76: {  	v5 =	vor.u32 $0x241, v1;
	v4 =	vld.idx.msk [tilespmem:v63+s2+$0x0], $0xffff  }
0x77: {  	v6 =	vor.u32 $0x243, v1;
	v3 =	vld.idx.msk [tilespmem:v3+s2+$0x0], $0xffff;
	_ =	sdelay $0x1  }
0x78: {  	v7 =	vor.u32 $0x90, v0;
	_ =	sdelay $0x1  }
0x79: {  	v8 =	vadd.s32 $0xD80, v2;
	v5 =	vld.idx.msk [tilespmem:v5+s2+$0x0], $0xffff;
	v4 =	vtrunc.f32 v4  }
0x7a: {  	v9 =	vadd.s32 $0xD91, v2;
	v6 =	vld.idx.msk [tilespmem:v6+s2+$0x0], $0xffff;
	v4 =	vcvt.f32.s32 v4;
	v3 =	vtrunc.f32 v3  }
0x7b: {  	v10 =	vor.u32 $0x280, v1;
	v3 =	vcvt.f32.s32 v3  }
0x7c: {  	[tilespmem:v7+s11+$0x0] =	vst.idx.msk $0xffff, v4;
	v4 =	vor.u32 $0x282, v1  }
0x7d: {  	[tilespmem:v7+s12+$0x0] =	vst.idx.msk $0xffff, v3  }
0x7e: {  	[tilespmem:v8+s13+$0x0] =	vst.idx.msk $0xffff, v5  }
0x7f: {  	[tilespmem:v9+s13+$0x0] =	vst.idx.msk $0xffff, v6  }
0x80: {  	v5 =	vor.u32 $0x281, v1;
	v3 =	vld.idx.msk [tilespmem:v10+s2+$0x0], $0xffff  }
0x81: {  	v6 =	vor.u32 $0x283, v1;
	v4 =	vld.idx.msk [tilespmem:v4+s2+$0x0], $0xffff;
	_ =	sdelay $0x1  }
0x82: {  	v7 =	vor.u32 $0xA0, v0;
	_ =	sdelay $0x1  }
0x83: {  	v8 =	vadd.s32 $0xF00, v2;
	v5 =	vld.idx.msk [tilespmem:v5+s2+$0x0], $0xffff;
	v3 =	vtrunc.f32 v3  }
0x84: {  	v9 =	vadd.s32 $0xF11, v2;
	v6 =	vld.idx.msk [tilespmem:v6+s2+$0x0], $0xffff;
	v3 =	vcvt.f32.s32 v3;
	v4 =	vtrunc.f32 v4  }
0x85: {  	v10 =	vor.u32 $0x2C0, v1;
	v4 =	vcvt.f32.s32 v4  }
0x86: {  	[tilespmem:v7+s11+$0x0] =	vst.idx.msk $0xffff, v3;
	v3 =	vor.u32 $0x2C2, v1  }
0x87: {  	[tilespmem:v7+s12+$0x0] =	vst.idx.msk $0xffff, v4  }
0x88: {  	[tilespmem:v8+s13+$0x0] =	vst.idx.msk $0xffff, v5  }
0x89: {  	[tilespmem:v9+s13+$0x0] =	vst.idx.msk $0xffff, v6  }
0x8a: {  	v5 =	vor.u32 $0x2C1, v1;
	v4 =	vld.idx.msk [tilespmem:v10+s2+$0x0], $0xffff  }
0x8b: {  	v6 =	vor.u32 $0x2C3, v1;
	v3 =	vld.idx.msk [tilespmem:v3+s2+$0x0], $0xffff;
	_ =	sdelay $0x1  }
0x8c: {  	v7 =	vor.u32 $0xB0, v0;
	_ =	sdelay $0x1  }
0x8d: {  	v8 =	vadd.s32 $0x1080, v2;
	v5 =	vld.idx.msk [tilespmem:v5+s2+$0x0], $0xffff;
	v4 =	vtrunc.f32 v4  }
0x8e: {  	v9 =	vadd.s32 $0x1091, v2;
	v6 =	vld.idx.msk [tilespmem:v6+s2+$0x0], $0xffff;
	v4 =	vcvt.f32.s32 v4;
	v3 =	vtrunc.f32 v3  }
0x8f: {  	v10 =	vor.u32 $0x300, v1;
	v3 =	vcvt.f32.s32 v3  }
0x90: {  	[tilespmem:v7+s11+$0x0] =	vst.idx.msk $0xffff, v4;
	v4 =	vor.u32 $0x302, v1  }
0x91: {  	[tilespmem:v7+s12+$0x0] =	vst.idx.msk $0xffff, v3  }
0x92: {  	[tilespmem:v8+s13+$0x0] =	vst.idx.msk $0xffff, v5  }
0x93: {  	[tilespmem:v9+s13+$0x0] =	vst.idx.msk $0xffff, v6  }
0x94: {  	v5 =	vor.u32 $0x301, v1;
	v3 =	vld.idx.msk [tilespmem:v10+s2+$0x0], $0xffff  }
0x95: {  	v6 =	vor.u32 $0x303, v1;
	v4 =	vld.idx.msk [tilespmem:v4+s2+$0x0], $0xffff;
	_ =	sdelay $0x1  }
0x96: {  	v7 =	vor.u32 $0xC0, v0;
	_ =	sdelay $0x1  }
0x97: {  	v8 =	vor.u32 $0x1200, v2;
	v5 =	vld.idx.msk [tilespmem:v5+s2+$0x0], $0xffff;
	v3 =	vtrunc.f32 v3  }
0x98: {  	v9 =	vadd.s32 $0x1211, v2;
	v6 =	vld.idx.msk [tilespmem:v6+s2+$0x0], $0xffff;
	v3 =	vcvt.f32.s32 v3;
	v4 =	vtrunc.f32 v4  }
0x99: {  	v10 =	vor.u32 $0x340, v1;
	v4 =	vcvt.f32.s32 v4  }
0x9a: {  	[tilespmem:v7+s11+$0x0] =	vst.idx.msk $0xffff, v3;
	v3 =	vor.u32 $0x342, v1  }
0x9b: {  	[tilespmem:v7+s12+$0x0] =	vst.idx.msk $0xffff, v4  }
0x9c: {  	[tilespmem:v8+s13+$0x0] =	vst.idx.msk $0xffff, v5  }
0x9d: {  	[tilespmem:v9+s13+$0x0] =	vst.idx.msk $0xffff, v6  }
0x9e: {  	v5 =	vor.u32 $0x341, v1;
	v4 =	vld.idx.msk [tilespmem:v10+s2+$0x0], $0xffff  }
0x9f: {  	v6 =	vor.u32 $0x343, v1;
	v3 =	vld.idx.msk [tilespmem:v3+s2+$0x0], $0xffff;
	_ =	sdelay $0x1  }
0xa0: {  	v7 =	vor.u32 $0xD0, v0;
	_ =	sdelay $0x1  }
0xa1: {  	v8 =	vadd.s32 $0x1380, v2;
	v5 =	vld.idx.msk [tilespmem:v5+s2+$0x0], $0xffff;
	v4 =	vtrunc.f32 v4  }
0xa2: {  	v9 =	vadd.s32 $0x1391, v2;
	v6 =	vld.idx.msk [tilespmem:v6+s2+$0x0], $0xffff;
	v4 =	vcvt.f32.s32 v4;
	v3 =	vtrunc.f32 v3  }
0xa3: {  	v10 =	vor.u32 $0x380, v1;
	v3 =	vcvt.f32.s32 v3  }
0xa4: {  	[tilespmem:v7+s11+$0x0] =	vst.idx.msk $0xffff, v4;
	v4 =	vor.u32 $0x382, v1  }
0xa5: {  	[tilespmem:v7+s12+$0x0] =	vst.idx.msk $0xffff, v3  }
0xa6: {  	[tilespmem:v8+s13+$0x0] =	vst.idx.msk $0xffff, v5  }
0xa7: {  	[tilespmem:v9+s13+$0x0] =	vst.idx.msk $0xffff, v6  }
0xa8: {  	v5 =	vor.u32 $0x381, v1;
	v3 =	vld.idx.msk [tilespmem:v10+s2+$0x0], $0xffff  }
0xa9: {  	v6 =	vor.u32 $0x383, v1;
	v4 =	vld.idx.msk [tilespmem:v4+s2+$0x0], $0xffff;
	_ =	sdelay $0x1  }
0xaa: {  	v7 =	vor.u32 $0xE0, v0;
	_ =	sdelay $0x1  }
0xab: {  	v8 =	vadd.s32 $0x1500, v2;
	v5 =	vld.idx.msk [tilespmem:v5+s2+$0x0], $0xffff;
	v3 =	vtrunc.f32 v3  }
0xac: {  	v9 =	vadd.s32 $0x1511, v2;
	v6 =	vld.idx.msk [tilespmem:v6+s2+$0x0], $0xffff;
	v3 =	vcvt.f32.s32 v3;
	v4 =	vtrunc.f32 v4  }
0xad: {  	v10 =	vor.u32 $0x3C0, v1;
	v4 =	vcvt.f32.s32 v4  }
0xae: {  	[tilespmem:v7+s11+$0x0] =	vst.idx.msk $0xffff, v3;
	v3 =	vor.u32 $0x3C2, v1  }
0xaf: {  	[tilespmem:v7+s12+$0x0] =	vst.idx.msk $0xffff, v4  }
0xb0: {  	[tilespmem:v8+s13+$0x0] =	vst.idx.msk $0xffff, v5  }
0xb1: {  	[tilespmem:v9+s13+$0x0] =	vst.idx.msk $0xffff, v6  }
0xb2: {  	v5 =	vor.u32 $0x3C1, v1;
	v4 =	vld.idx.msk [tilespmem:v10+s2+$0x0], $0xffff  }
0xb3: {  	v6 =	vor.u32 $0x3C3, v1;
	v3 =	vld.idx.msk [tilespmem:v3+s2+$0x0], $0xffff;
	_ =	sdelay $0x1  }
0xb4: {  	v7 =	vor.u32 $0xF0, v0;
	_ =	sdelay $0x1  }
0xb5: {  	v8 =	vadd.s32 $0x1680, v2;
	v5 =	vld.idx.msk [tilespmem:v5+s2+$0x0], $0xffff;
	v4 =	vtrunc.f32 v4  }
0xb6: {  	v9 =	vadd.s32 $0x1691, v2;
	v6 =	vld.idx.msk [tilespmem:v6+s2+$0x0], $0xffff;
	v4 =	vcvt.f32.s32 v4;
	v3 =	vtrunc.f32 v3  }
0xb7: {  	v10 =	vor.u32 $0x400, v1;
	v3 =	vcvt.f32.s32 v3  }
0xb8: {  	[tilespmem:v7+s11+$0x0] =	vst.idx.msk $0xffff, v4;
	v4 =	vor.u32 $0x402, v1  }
0xb9: {  	[tilespmem:v7+s12+$0x0] =	vst.idx.msk $0xffff, v3  }
0xba: {  	[tilespmem:v8+s13+$0x0] =	vst.idx.msk $0xffff, v5  }
0xbb: {  	[tilespmem:v9+s13+$0x0] =	vst.idx.msk $0xffff, v6  }
0xbc: {  	v5 =	vor.u32 $0x401, v1;
	v3 =	vld.idx.msk [tilespmem:v10+s2+$0x0], $0xffff  }
0xbd: {  	v6 =	vor.u32 $0x403, v1;
	v4 =	vld.idx.msk [tilespmem:v4+s2+$0x0], $0xffff;
	_ =	sdelay $0x1  }
0xbe: {  	v7 =	vor.u32 $0x100, v0;
	_ =	sdelay $0x1  }
0xbf: {  	v8 =	vor.u32 $0x1800, v2;
	v5 =	vld.idx.msk [tilespmem:v5+s2+$0x0], $0xffff;
	v3 =	vtrunc.f32 v3  }
0xc0: {  	v9 =	vadd.s32 $0x1811, v2;
	v6 =	vld.idx.msk [tilespmem:v6+s2+$0x0], $0xffff;
	v3 =	vcvt.f32.s32 v3;
	v4 =	vtrunc.f32 v4  }
0xc1: {  	v10 =	vor.u32 $0x440, v1;
	v4 =	vcvt.f32.s32 v4  }
0xc2: {  	[tilespmem:v7+s11+$0x0] =	vst.idx.msk $0xffff, v3;
	v3 =	vor.u32 $0x442, v1  }
0xc3: {  	[tilespmem:v7+s12+$0x0] =	vst.idx.msk $0xffff, v4  }
0xc4: {  	[tilespmem:v8+s13+$0x0] =	vst.idx.msk $0xffff, v5  }
0xc5: {  	[tilespmem:v9+s13+$0x0] =	vst.idx.msk $0xffff, v6  }
0xc6: {  	v5 =	vor.u32 $0x441, v1;
	v4 =	vld.idx.msk [tilespmem:v10+s2+$0x0], $0xffff  }
0xc7: {  	v6 =	vor.u32 $0x443, v1;
	v3 =	vld.idx.msk [tilespmem:v3+s2+$0x0], $0xffff;
	_ =	sdelay $0x1  }
0xc8: {  	v7 =	vor.u32 $0x110, v0;
	_ =	sdelay $0x1  }
0xc9: {  	v8 =	vadd.s32 $0x1980, v2;
	v5 =	vld.idx.msk [tilespmem:v5+s2+$0x0], $0xffff;
	v4 =	vtrunc.f32 v4  }
0xca: {  	v9 =	vadd.s32 $0x1991, v2;
	v6 =	vld.idx.msk [tilespmem:v6+s2+$0x0], $0xffff;
	v4 =	vcvt.f32.s32 v4;
	v3 =	vtrunc.f32 v3  }
0xcb: {  	v10 =	vor.u32 $0x480, v1;
	v3 =	vcvt.f32.s32 v3  }
0xcc: {  	[tilespmem:v7+s11+$0x0] =	vst.idx.msk $0xffff, v4;
	v4 =	vor.u32 $0x482, v1  }
0xcd: {  	[tilespmem:v7+s12+$0x0] =	vst.idx.msk $0xffff, v3  }
0xce: {  	[tilespmem:v8+s13+$0x0] =	vst.idx.msk $0xffff, v5  }
0xcf: {  	[tilespmem:v9+s13+$0x0] =	vst.idx.msk $0xffff, v6  }
0xd0: {  	v5 =	vor.u32 $0x481, v1;
	v3 =	vld.idx.msk [tilespmem:v10+s2+$0x0], $0xffff  }
0xd1: {  	v6 =	vor.u32 $0x483, v1;
	v4 =	vld.idx.msk [tilespmem:v4+s2+$0x0], $0xffff;
	_ =	sdelay $0x1  }
0xd2: {  	v7 =	vor.u32 $0x120, v0;
	_ =	sdelay $0x1  }
0xd3: {  	v8 =	vadd.s32 $0x1B00, v2;
	v5 =	vld.idx.msk [tilespmem:v5+s2+$0x0], $0xffff;
	v3 =	vtrunc.f32 v3  }
0xd4: {  	v9 =	vadd.s32 $0x1B11, v2;
	v6 =	vld.idx.msk [tilespmem:v6+s2+$0x0], $0xffff;
	v3 =	vcvt.f32.s32 v3;
	v4 =	vtrunc.f32 v4  }
0xd5: {  	v10 =	vor.u32 $0x4C0, v1;
	v4 =	vcvt.f32.s32 v4  }
0xd6: {  	[tilespmem:v7+s11+$0x0] =	vst.idx.msk $0xffff, v3;
	v3 =	vor.u32 $0x4C2, v1  }
0xd7: {  	[tilespmem:v7+s12+$0x0] =	vst.idx.msk $0xffff, v4  }
0xd8: {  	[tilespmem:v8+s13+$0x0] =	vst.idx.msk $0xffff, v5  }
0xd9: {  	[tilespmem:v9+s13+$0x0] =	vst.idx.msk $0xffff, v6  }
0xda: {  	v5 =	vor.u32 $0x4C1, v1;
	v4 =	vld.idx.msk [tilespmem:v10+s2+$0x0], $0xffff  }
0xdb: {  	v6 =	vor.u32 $0x4C3, v1;
	v3 =	vld.idx.msk [tilespmem:v3+s2+$0x0], $0xffff;
	_ =	sdelay $0x1  }
0xdc: {  	v7 =	vor.u32 $0x130, v0;
	_ =	sdelay $0x1  }
0xdd: {  	v8 =	vadd.s32 $0x1C80, v2;
	v5 =	vld.idx.msk [tilespmem:v5+s2+$0x0], $0xffff;
	v4 =	vtrunc.f32 v4  }
0xde: {  	v9 =	vadd.s32 $0x1C91, v2;
	v6 =	vld.idx.msk [tilespmem:v6+s2+$0x0], $0xffff;
	v4 =	vcvt.f32.s32 v4;
	v3 =	vtrunc.f32 v3  }
0xdf: {  	v10 =	vor.u32 $0x500, v1;
	v3 =	vcvt.f32.s32 v3  }
0xe0: {  	[tilespmem:v7+s11+$0x0] =	vst.idx.msk $0xffff, v4;
	v4 =	vor.u32 $0x502, v1  }
0xe1: {  	[tilespmem:v7+s12+$0x0] =	vst.idx.msk $0xffff, v3  }
0xe2: {  	[tilespmem:v8+s13+$0x0] =	vst.idx.msk $0xffff, v5  }
0xe3: {  	[tilespmem:v9+s13+$0x0] =	vst.idx.msk $0xffff, v6  }
0xe4: {  	v5 =	vor.u32 $0x501, v1;
	v3 =	vld.idx.msk [tilespmem:v10+s2+$0x0], $0xffff  }
0xe5: {  	v6 =	vor.u32 $0x503, v1;
	v4 =	vld.idx.msk [tilespmem:v4+s2+$0x0], $0xffff;
	_ =	sdelay $0x1  }
0xe6: {  	v7 =	vor.u32 $0x140, v0;
	_ =	sdelay $0x1  }
0xe7: {  	v8 =	vor.u32 $0x1E00, v2;
	v5 =	vld.idx.msk [tilespmem:v5+s2+$0x0], $0xffff;
	v3 =	vtrunc.f32 v3  }
0xe8: {  	v9 =	vadd.s32 $0x1E11, v2;
	v6 =	vld.idx.msk [tilespmem:v6+s2+$0x0], $0xffff;
	v3 =	vcvt.f32.s32 v3;
	v4 =	vtrunc.f32 v4  }
0xe9: {  	v10 =	vor.u32 $0x540, v1;
	v4 =	vcvt.f32.s32 v4  }
0xea: {  	[tilespmem:v7+s11+$0x0] =	vst.idx.msk $0xffff, v3;
	v3 =	vor.u32 $0x542, v1  }
0xeb: {  	[tilespmem:v7+s12+$0x0] =	vst.idx.msk $0xffff, v4  }
0xec: {  	[tilespmem:v8+s13+$0x0] =	vst.idx.msk $0xffff, v5  }
0xed: {  	[tilespmem:v9+s13+$0x0] =	vst.idx.msk $0xffff, v6  }
0xee: {  	v5 =	vor.u32 $0x541, v1;
	v4 =	vld.idx.msk [tilespmem:v10+s2+$0x0], $0xffff  }
0xef: {  	v6 =	vor.u32 $0x543, v1;
	v3 =	vld.idx.msk [tilespmem:v3+s2+$0x0], $0xffff;
	_ =	sdelay $0x1  }
0xf0: {  	v7 =	vor.u32 $0x150, v0;
	_ =	sdelay $0x1  }
0xf1: {  	v8 =	vadd.s32 $0x1F80, v2;
	v5 =	vld.idx.msk [tilespmem:v5+s2+$0x0], $0xffff;
	v4 =	vtrunc.f32 v4  }
0xf2: {  	v9 =	vadd.s32 $0x1F91, v2;
	v6 =	vld.idx.msk [tilespmem:v6+s2+$0x0], $0xffff;
	v4 =	vcvt.f32.s32 v4;
	v3 =	vtrunc.f32 v3  }
0xf3: {  	v10 =	vor.u32 $0x580, v1;
	v3 =	vcvt.f32.s32 v3  }
0xf4: {  	[tilespmem:v7+s11+$0x0] =	vst.idx.msk $0xffff, v4;
	v4 =	vor.u32 $0x582, v1  }
0xf5: {  	[tilespmem:v7+s12+$0x0] =	vst.idx.msk $0xffff, v3  }
0xf6: {  	[tilespmem:v8+s13+$0x0] =	vst.idx.msk $0xffff, v5  }
0xf7: {  	[tilespmem:v9+s13+$0x0] =	vst.idx.msk $0xffff, v6  }
0xf8: {  	v5 =	vor.u32 $0x581, v1;
	v3 =	vld.idx.msk [tilespmem:v10+s2+$0x0], $0xffff  }
0xf9: {  	v6 =	vor.u32 $0x583, v1;
	v4 =	vld.idx.msk [tilespmem:v4+s2+$0x0], $0xffff;
	_ =	sdelay $0x1  }
0xfa: {  	v7 =	vor.u32 $0x160, v0;
	_ =	sdelay $0x1  }
0xfb: {  	v8 =	vadd.s32 $0x2100, v2;
	v5 =	vld.idx.msk [tilespmem:v5+s2+$0x0], $0xffff;
	v3 =	vtrunc.f32 v3  }
0xfc: {  	v9 =	vadd.s32 $0x2111, v2;
	v6 =	vld.idx.msk [tilespmem:v6+s2+$0x0], $0xffff;
	v3 =	vcvt.f32.s32 v3;
	v4 =	vtrunc.f32 v4  }
0xfd: {  	v10 =	vor.u32 $0x5C0, v1;
	v4 =	vcvt.f32.s32 v4  }
0xfe: {  	[tilespmem:v7+s11+$0x0] =	vst.idx.msk $0xffff, v3;
	v3 =	vor.u32 $0x5C2, v1  }
0xff: {  	[tilespmem:v7+s12+$0x0] =	vst.idx.msk $0xffff, v4  }
0x100: {  	[tilespmem:v8+s13+$0x0] =	vst.idx.msk $0xffff, v5  }
0x101: {  	[tilespmem:v9+s13+$0x0] =	vst.idx.msk $0xffff, v6  }
0x102: {  	v5 =	vor.u32 $0x5C1, v1;
	v4 =	vld.idx.msk [tilespmem:v10+s2+$0x0], $0xffff  }
0x103: {  	v6 =	vor.u32 $0x5C3, v1;
	v3 =	vld.idx.msk [tilespmem:v3+s2+$0x0], $0xffff;
	_ =	sdelay $0x1  }
0x104: {  	v7 =	vor.u32 $0x170, v0;
	_ =	sdelay $0x1  }
0x105: {  	v8 =	vadd.s32 $0x2280, v2;
	v5 =	vld.idx.msk [tilespmem:v5+s2+$0x0], $0xffff;
	v4 =	vtrunc.f32 v4  }
0x106: {  	v9 =	vadd.s32 $0x2291, v2;
	v6 =	vld.idx.msk [tilespmem:v6+s2+$0x0], $0xffff;
	v4 =	vcvt.f32.s32 v4;
	v3 =	vtrunc.f32 v3  }
0x107: {  	v10 =	vor.u32 $0x600, v1;
	v3 =	vcvt.f32.s32 v3  }
0x108: {  	[tilespmem:v7+s11+$0x0] =	vst.idx.msk $0xffff, v4;
	v4 =	vor.u32 $0x602, v1  }
0x109: {  	[tilespmem:v7+s12+$0x0] =	vst.idx.msk $0xffff, v3  }
0x10a: {  	[tilespmem:v8+s13+$0x0] =	vst.idx.msk $0xffff, v5  }
0x10b: {  	[tilespmem:v9+s13+$0x0] =	vst.idx.msk $0xffff, v6  }
0x10c: {  	v5 =	vor.u32 $0x601, v1;
	v3 =	vld.idx.msk [tilespmem:v10+s2+$0x0], $0xffff  }
0x10d: {  	v6 =	vor.u32 $0x603, v1;
	v4 =	vld.idx.msk [tilespmem:v4+s2+$0x0], $0xffff;
	_ =	sdelay $0x1  }
0x10e: {  	v7 =	vor.u32 $0x180, v0;
	_ =	sdelay $0x1  }
0x10f: {  	v8 =	vor.u32 $0x2400, v2;
	v5 =	vld.idx.msk [tilespmem:v5+s2+$0x0], $0xffff;
	v3 =	vtrunc.f32 v3  }
0x110: {  	v9 =	vadd.s32 $0x2411, v2;
	v6 =	vld.idx.msk [tilespmem:v6+s2+$0x0], $0xffff;
	v3 =	vcvt.f32.s32 v3;
	v4 =	vtrunc.f32 v4  }
0x111: {  	v10 =	vor.u32 $0x640, v1;
	v4 =	vcvt.f32.s32 v4  }
0x112: {  	[tilespmem:v7+s11+$0x0] =	vst.idx.msk $0xffff, v3;
	v3 =	vor.u32 $0x642, v1  }
0x113: {  	[tilespmem:v7+s12+$0x0] =	vst.idx.msk $0xffff, v4  }
0x114: {  	[tilespmem:v8+s13+$0x0] =	vst.idx.msk $0xffff, v5  }
0x115: {  	[tilespmem:v9+s13+$0x0] =	vst.idx.msk $0xffff, v6  }
0x116: {  	v5 =	vor.u32 $0x641, v1;
	v4 =	vld.idx.msk [tilespmem:v10+s2+$0x0], $0xffff  }
0x117: {  	v6 =	vor.u32 $0x643, v1;
	v3 =	vld.idx.msk [tilespmem:v3+s2+$0x0], $0xffff;
	_ =	sdelay $0x1  }
0x118: {  	v7 =	vor.u32 $0x190, v0;
	_ =	sdelay $0x1  }
0x119: {  	v8 =	vadd.s32 $0x2580, v2;
	v5 =	vld.idx.msk [tilespmem:v5+s2+$0x0], $0xffff;
	v4 =	vtrunc.f32 v4  }
0x11a: {  	v9 =	vadd.s32 $0x2591, v2;
	v6 =	vld.idx.msk [tilespmem:v6+s2+$0x0], $0xffff;
	v4 =	vcvt.f32.s32 v4;
	v3 =	vtrunc.f32 v3  }
0x11b: {  	v10 =	vor.u32 $0x680, v1;
	v3 =	vcvt.f32.s32 v3  }
0x11c: {  	[tilespmem:v7+s11+$0x0] =	vst.idx.msk $0xffff, v4;
	v4 =	vor.u32 $0x682, v1  }
0x11d: {  	[tilespmem:v7+s12+$0x0] =	vst.idx.msk $0xffff, v3  }
0x11e: {  	[tilespmem:v8+s13+$0x0] =	vst.idx.msk $0xffff, v5  }
0x11f: {  	[tilespmem:v9+s13+$0x0] =	vst.idx.msk $0xffff, v6  }
0x120: {  	v5 =	vor.u32 $0x681, v1;
	v3 =	vld.idx.msk [tilespmem:v10+s2+$0x0], $0xffff  }
0x121: {  	v6 =	vor.u32 $0x683, v1;
	v4 =	vld.idx.msk [tilespmem:v4+s2+$0x0], $0xffff;
	_ =	sdelay $0x1  }
0x122: {  	v7 =	vor.u32 $0x1A0, v0;
	_ =	sdelay $0x1  }
0x123: {  	v8 =	vadd.s32 $0x2700, v2;
	v5 =	vld.idx.msk [tilespmem:v5+s2+$0x0], $0xffff;
	v3 =	vtrunc.f32 v3  }
0x124: {  	v9 =	vadd.s32 $0x2711, v2;
	v6 =	vld.idx.msk [tilespmem:v6+s2+$0x0], $0xffff;
	v3 =	vcvt.f32.s32 v3;
	v4 =	vtrunc.f32 v4  }
0x125: {  	v10 =	vor.u32 $0x6C0, v1;
	v4 =	vcvt.f32.s32 v4  }
0x126: {  	[tilespmem:v7+s11+$0x0] =	vst.idx.msk $0xffff, v3;
	v3 =	vor.u32 $0x6C2, v1  }
0x127: {  	[tilespmem:v7+s12+$0x0] =	vst.idx.msk $0xffff, v4  }
0x128: {  	[tilespmem:v8+s13+$0x0] =	vst.idx.msk $0xffff, v5  }
0x129: {  	[tilespmem:v9+s13+$0x0] =	vst.idx.msk $0xffff, v6  }
0x12a: {  	v5 =	vor.u32 $0x6C1, v1;
	v4 =	vld.idx.msk [tilespmem:v10+s2+$0x0], $0xffff  }
0x12b: {  	v6 =	vor.u32 $0x6C3, v1;
	v3 =	vld.idx.msk [tilespmem:v3+s2+$0x0], $0xffff;
	_ =	sdelay $0x1  }
0x12c: {  	v7 =	vor.u32 $0x1B0, v0;
	_ =	sdelay $0x1  }
0x12d: {  	v8 =	vadd.s32 $0x2880, v2;
	v5 =	vld.idx.msk [tilespmem:v5+s2+$0x0], $0xffff;
	v4 =	vtrunc.f32 v4  }
0x12e: {  	v9 =	vadd.s32 $0x2891, v2;
	v6 =	vld.idx.msk [tilespmem:v6+s2+$0x0], $0xffff;
	v4 =	vcvt.f32.s32 v4;
	v3 =	vtrunc.f32 v3  }
0x12f: {  	v10 =	vor.u32 $0x700, v1;
	v3 =	vcvt.f32.s32 v3  }
0x130: {  	[tilespmem:v7+s11+$0x0] =	vst.idx.msk $0xffff, v4;
	v4 =	vor.u32 $0x702, v1  }
0x131: {  	[tilespmem:v7+s12+$0x0] =	vst.idx.msk $0xffff, v3  }
0x132: {  	[tilespmem:v8+s13+$0x0] =	vst.idx.msk $0xffff, v5  }
0x133: {  	[tilespmem:v9+s13+$0x0] =	vst.idx.msk $0xffff, v6  }
0x134: {  	v5 =	vor.u32 $0x701, v1;
	v3 =	vld.idx.msk [tilespmem:v10+s2+$0x0], $0xffff  }
0x135: {  	v6 =	vor.u32 $0x703, v1;
	v4 =	vld.idx.msk [tilespmem:v4+s2+$0x0], $0xffff;
	_ =	sdelay $0x1  }
0x136: {  	v7 =	vor.u32 $0x1C0, v0;
	_ =	sdelay $0x1  }
0x137: {  	v8 =	vor.u32 $0x2A00, v2;
	v5 =	vld.idx.msk [tilespmem:v5+s2+$0x0], $0xffff;
	v3 =	vtrunc.f32 v3  }
0x138: {  	v9 =	vadd.s32 $0x2A11, v2;
	v6 =	vld.idx.msk [tilespmem:v6+s2+$0x0], $0xffff;
	v3 =	vcvt.f32.s32 v3;
	v4 =	vtrunc.f32 v4  }
0x139: {  	v10 =	vor.u32 $0x740, v1;
	v4 =	vcvt.f32.s32 v4  }
0x13a: {  	[tilespmem:v7+s11+$0x0] =	vst.idx.msk $0xffff, v3;
	v3 =	vor.u32 $0x742, v1  }
0x13b: {  	[tilespmem:v7+s12+$0x0] =	vst.idx.msk $0xffff, v4  }
0x13c: {  	[tilespmem:v8+s13+$0x0] =	vst.idx.msk $0xffff, v5  }
0x13d: {  	[tilespmem:v9+s13+$0x0] =	vst.idx.msk $0xffff, v6  }
0x13e: {  	v5 =	vor.u32 $0x741, v1;
	v4 =	vld.idx.msk [tilespmem:v10+s2+$0x0], $0xffff  }
0x13f: {  	v6 =	vor.u32 $0x743, v1;
	v3 =	vld.idx.msk [tilespmem:v3+s2+$0x0], $0xffff;
	_ =	sdelay $0x1  }
0x140: {  	v7 =	vor.u32 $0x1D0, v0;
	_ =	sdelay $0x1  }
0x141: {  	v8 =	vadd.s32 $0x2B80, v2;
	v5 =	vld.idx.msk [tilespmem:v5+s2+$0x0], $0xffff;
	v4 =	vtrunc.f32 v4  }
0x142: {  	v9 =	vadd.s32 $0x2B91, v2;
	v6 =	vld.idx.msk [tilespmem:v6+s2+$0x0], $0xffff;
	v4 =	vcvt.f32.s32 v4;
	v3 =	vtrunc.f32 v3  }
0x143: {  	v10 =	vor.u32 $0x780, v1;
	v3 =	vcvt.f32.s32 v3  }
0x144: {  	[tilespmem:v7+s11+$0x0] =	vst.idx.msk $0xffff, v4;
	v4 =	vor.u32 $0x782, v1  }
0x145: {  	[tilespmem:v7+s12+$0x0] =	vst.idx.msk $0xffff, v3  }
0x146: {  	[tilespmem:v8+s13+$0x0] =	vst.idx.msk $0xffff, v5  }
0x147: {  	[tilespmem:v9+s13+$0x0] =	vst.idx.msk $0xffff, v6  }
0x148: {  	v5 =	vor.u32 $0x781, v1;
	v3 =	vld.idx.msk [tilespmem:v10+s2+$0x0], $0xffff  }
0x149: {  	v6 =	vor.u32 $0x783, v1;
	v4 =	vld.idx.msk [tilespmem:v4+s2+$0x0], $0xffff;
	_ =	sdelay $0x1  }
0x14a: {  	v7 =	vor.u32 $0x1E0, v0;
	_ =	sdelay $0x1  }
0x14b: {  	v8 =	vadd.s32 $0x2D00, v2;
	v5 =	vld.idx.msk [tilespmem:v5+s2+$0x0], $0xffff;
	v3 =	vtrunc.f32 v3  }
0x14c: {  	v9 =	vadd.s32 $0x2D11, v2;
	v6 =	vld.idx.msk [tilespmem:v6+s2+$0x0], $0xffff;
	v3 =	vcvt.f32.s32 v3;
	v4 =	vtrunc.f32 v4  }
0x14d: {  	v10 =	vor.u32 $0x7C0, v1;
	v4 =	vcvt.f32.s32 v4  }
0x14e: {  	[tilespmem:v7+s11+$0x0] =	vst.idx.msk $0xffff, v3;
	v3 =	vor.u32 $0x7C2, v1  }
0x14f: {  	[tilespmem:v7+s12+$0x0] =	vst.idx.msk $0xffff, v4  }
0x150: {  	[tilespmem:v8+s13+$0x0] =	vst.idx.msk $0xffff, v5  }
0x151: {  	[tilespmem:v9+s13+$0x0] =	vst.idx.msk $0xffff, v6  }
0x152: {  	v5 =	vor.u32 $0x7C1, v1;
	v4 =	vld.idx.msk [tilespmem:v10+s2+$0x0], $0xffff  }
0x153: {  	v6 =	vor.u32 $0x7C3, v1;
	v3 =	vld.idx.msk [tilespmem:v3+s2+$0x0], $0xffff;
	_ =	sdelay $0x1  }
0x154: {  	v7 =	vor.u32 $0x1F0, v0;
	_ =	sdelay $0x1  }
0x155: {  	v8 =	vadd.s32 $0x2E80, v2;
	v5 =	vld.idx.msk [tilespmem:v5+s2+$0x0], $0xffff;
	v4 =	vtrunc.f32 v4  }
0x156: {  	v9 =	vadd.s32 $0x2E91, v2;
	v6 =	vld.idx.msk [tilespmem:v6+s2+$0x0], $0xffff;
	v4 =	vcvt.f32.s32 v4;
	v3 =	vtrunc.f32 v3  }
0x157: {  	v3 =	vcvt.f32.s32 v3  }
0x158: {  	[tilespmem:v7+s11+$0x0] =	vst.idx.msk $0xffff, v4  }
0x159: {  	[tilespmem:v7+s12+$0x0] =	vst.idx.msk $0xffff, v3  }
0x15a: {  	[tilespmem:v8+s13+$0x0] =	vst.idx.msk $0xffff, v5  }
0x15b: {  	[tilespmem:v9+s13+$0x0] =	vst.idx.msk $0xffff, v6  }
0x15c: {  	[tilespmem:s15], [sflag:$0x1] =	stream.indirect.gather [hbm4b:s4+s14], $0x40, s11, s14, $0xb8;
	[tilespmem:$0xDC00] =	vst v63  }
0x15d: {  	_ = 	snop  }
0x15e: {  	[tilespmem:s16], [sflag:$0x1] =	stream.indirect.gather [hbm4b:s5+s14], $0x10, s12, s14, $0xb8;
	[tilespmem:$0xDC00] =	vst v63  }
0x15f: {  	s19 =	simm.s32 $0x2C00;
	s18 =	simm.s32 $0x880  }
0x160: {  	[tilespmem:s19], [sflag:$0x1] =	stream.indirect.gather [hbm4b:s4+s14], $0x40, s18, s14, $0xb8;
	[tilespmem:$0xDC00] =	vst v63  }
0x161: {  	s19 =	simm.s32 $0xA80  }
0x162: {  	[tilespmem:s20], [sflag:$0x1] =	stream.indirect.gather [hbm4b:s5+s14], $0x10, s19, s14, $0xb8;
	[tilespmem:$0xDC00] =	vst v63  }
0x163: {  	_ = 	snop  }
0x164: {  	[tilespmem:s22], [sflag:$0x1] =	stream.indirect.gather [hbm4b:s4+s14], $0x40, s21, s14, $0xb8;
	[tilespmem:$0xDC00] =	vst v63  }
0x165: {  	_ = 	snop  }
0x166: {  	[tilespmem:s24], [sflag:$0x1] =	stream.indirect.gather [hbm4b:s5+s14], $0x10, s23, s14, $0xb8;
	[tilespmem:$0xDC00] =	vst v63  }
0x167: {  	_ = 	snop  }
0x168: {  	[tilespmem:s26], [sflag:$0x1] =	stream.indirect.gather [hbm4b:s4+s14], $0x40, s25, s14, $0xb8;
	[tilespmem:$0xDC00] =	vst v63  }
0x169: {  	_ = 	snop  }
0x16a: {  	[tilespmem:s29], [sflag:$0x1] =	stream.indirect.gather [hbm4b:s5+s14], $0x10, s28, s14, $0xb8;
	[tilespmem:$0xDC00] =	vst v63  }
0x16b: {  	_ =	swait.ge [sflag:s30], $0x2000  }
0x16c: {  	[sflag:s30] =	ssyncset.done $0x0  }
0x16d: {  	[sflag:s30] =	ssyncadd.s32 $0xFFFFE000  }
0x16e: {  	_ =	swait.ge [sflag:s30], $0x800  }
0x16f: {  	[sflag:s30] =	ssyncset.done $0x0  }
0x170: {  	[sflag:s30] =	ssyncadd.s32 $0xFFFFF800  }
0x171: {  	_ =	swait.ge [sflag:s30], $0x2000  }
0x172: {  	[sflag:s30] =	ssyncset.done $0x0  }
0x173: {  	[sflag:s30] =	ssyncadd.s32 $0xFFFFE000  }
0x174: {  	_ =	swait.ge [sflag:s30], $0x800  }
0x175: {  	[sflag:s30] =	ssyncset.done $0x0  }
0x176: {  	[sflag:s30] =	ssyncadd.s32 $0xFFFFF800  }
0x177: {  	_ =	swait.ge [sflag:s30], $0x2000  }
0x178: {  	[sflag:s30] =	ssyncset.done $0x0  }
0x179: {  	[sflag:s30] =	ssyncadd.s32 $0xFFFFE000  }
0x17a: {  	_ =	swait.ge [sflag:s30], $0x800  }
0x17b: {  	s18 =	simm.s32 $0x0;
	[sflag:s30] =	ssyncset.done $0x0  }
0x17c: {  	v3 =	vmov s18;
	[sflag:s30] =	ssyncadd.s32 $0xFFFFF800  }
0x17d: {  	v4 =	vshll.u32 v3, $0x4;
	_ =	swait.ge [sflag:s30], $0x2000  }
0x17e: {  	v4 =	vor.u32 v0, v4;
	[sflag:s30] =	ssyncset.done $0x0  }
0x17f: {  	[sflag:s30] =	ssyncadd.s32 $0xFFFFE000  }
0x180: {  	_ =	swait.ge [sflag:s30], $0x800  }
0x181: {  	v5 =	vmul.u32 $0x18, v3;
	s19 =	simm.s32 $0x1;
	[sflag:s30] =	ssyncset.done $0x0  }
0x182: {  	v3 =	vadd.s32 $0x1, v0;
	v6 =	vmov s19;
	[sflag:s30] =	ssyncadd.s32 $0xFFFFF800  }
0x183: {  	v5 =	vor.u32 v3, v5;
	v7 =	vshll.u32 v6, $0x4;
	v4 =	vld.idx.msk [tilespmem:v4+s16+$0x0], $0xffff  }
0x184: {  	v7 =	vor.u32 v0, v7;
	_ =	sdelay $0x2  }
0x185: {  	s18 =	simm.s32 $0x2;
	v6 =	vmul.u32 $0x18, v6  }
0x186: {  	[tilespmem:v5+s13+$0x0] =	vst.idx.msk $0xffff, v4;
	v4 =	vmov s18  }
0x187: {  	v6 =	vadd.s32 v3, v6;
	v5 =	vld.idx.msk [tilespmem:v7+s16+$0x0], $0xffff;
	v7 =	vshll.u32 v4, $0x4  }
0x188: {  	v7 =	vor.u32 v0, v7;
	_ =	sdelay $0x2  }
0x189: {  	s19 =	simm.s32 $0x3;
	v4 =	vmul.u32 $0x18, v4  }
0x18a: {  	[tilespmem:v6+s13+$0x0] =	vst.idx.msk $0xffff, v5;
	v5 =	vmov s19  }
0x18b: {  	v4 =	vadd.s32 v3, v4;
	v6 =	vld.idx.msk [tilespmem:v7+s16+$0x0], $0xffff;
	v7 =	vshll.u32 v5, $0x4  }
0x18c: {  	v7 =	vor.u32 v0, v7;
	_ =	sdelay $0x2  }
0x18d: {  	s18 =	simm.s32 $0x4;
	v5 =	vmul.u32 $0x18, v5  }
0x18e: {  	[tilespmem:v4+s13+$0x0] =	vst.idx.msk $0xffff, v6;
	v4 =	vmov s18  }
0x18f: {  	v5 =	vadd.s32 v3, v5;
	v6 =	vld.idx.msk [tilespmem:v7+s16+$0x0], $0xffff;
	v7 =	vshll.u32 v4, $0x4  }
0x190: {  	v7 =	vor.u32 v0, v7;
	_ =	sdelay $0x2  }
0x191: {  	s19 =	simm.s32 $0x5;
	v4 =	vmul.u32 $0x18, v4  }
0x192: {  	[tilespmem:v5+s13+$0x0] =	vst.idx.msk $0xffff, v6;
	v5 =	vmov s19  }
0x193: {  	v4 =	vor.u32 v3, v4;
	v6 =	vld.idx.msk [tilespmem:v7+s16+$0x0], $0xffff;
	v7 =	vshll.u32 v5, $0x4  }
0x194: {  	v7 =	vor.u32 v0, v7;
	_ =	sdelay $0x2  }
0x195: {  	s18 =	simm.s32 $0x6;
	v5 =	vmul.u32 $0x18, v5  }
0x196: {  	[tilespmem:v4+s13+$0x0] =	vst.idx.msk $0xffff, v6;
	v4 =	vmov s18  }
0x197: {  	v5 =	vadd.s32 v3, v5;
	v6 =	vld.idx.msk [tilespmem:v7+s16+$0x0], $0xffff;
	v7 =	vshll.u32 v4, $0x4  }
0x198: {  	v7 =	vor.u32 v0, v7;
	_ =	sdelay $0x2  }
0x199: {  	v4 =	vmul.u32 $0x18, v4  }
0x19a: {  	[tilespmem:v5+s13+$0x0] =	vst.idx.msk $0xffff, v6  }
0x19b: {  	v4 =	vadd.s32 v3, v4;
	v5 =	vld.idx.msk [tilespmem:v7+s16+$0x0], $0xffff;
	_ =	sdelay $0x1  }
0x19c: {  	s19 =	simm.s32 $0x7  }
0x19d: {  	v6 =	vmov s19  }
0x19e: {  	v7 =	vshll.u32 v6, $0x4  }
0x19f: {  	[tilespmem:v4+s13+$0x0] =	vst.idx.msk $0xffff, v5;
	v4 =	vor.u32 v0, v7;
	_ =	sdelay $0x3  }
0x1a0: {  	s17 =	simm.s32 $0xF;
	s18 =	simm.s32 $0x17;
	s19 =	simm.s32 $0x8;
	v5 =	vmul.u32 $0x18, v6  }
.LBB2_3:
0x1a1: {  	p0 =	sne.s32 s18, $0x1FF;
	v6 =	vmov s19;
	v4 =	vld.idx.msk [tilespmem:v4+s16+$0x0], $0xffff  }
0x1a2: {  	v7 =	vshll.u32 v6, $0x4;
	v5 =	vadd.s32 v3, v5  }
0x1a3: {  	v7 =	vor.u32 v0, v7;
	_ =	sdelay $0x3  }
0x1a4: {  	s19 =	sadd.s32 $0xFFFFFFFA, s17;
	v6 =	vmul.u32 $0x18, v6;
	[tilespmem:v5+s13+$0x0] =	vst.idx.msk $0xffff, v4  }
0x1a5: {  	v5 =	vmov s19;
	v4 =	vld.idx.msk [tilespmem:v7+s16+$0x0], $0xffff  }
0x1a6: {  	v6 =	vor.u32 v3, v6;
	v7 =	vshll.u32 v5, $0x4  }
0x1a7: {  	v7 =	vor.u32 v0, v7;
	_ =	sdelay $0x3  }
0x1a8: {  	s19 =	sadd.s32 $0xFFFFFFFB, s17;
	[tilespmem:v6+s13+$0x0] =	vst.idx.msk $0xffff, v4;
	v4 =	vmul.u32 $0x18, v5  }
0x1a9: {  	v6 =	vmov s19;
	v5 =	vld.idx.msk [tilespmem:v7+s16+$0x0], $0xffff  }
0x1aa: {  	v7 =	vshll.u32 v6, $0x4;
	v4 =	vadd.s32 v3, v4  }
0x1ab: {  	v7 =	vor.u32 v0, v7;
	_ =	sdelay $0x3  }
0x1ac: {  	s19 =	sadd.s32 $0xFFFFFFFC, s17;
	[tilespmem:v4+s13+$0x0] =	vst.idx.msk $0xffff, v5;
	v4 =	vmul.u32 $0x18, v6  }
0x1ad: {  	v6 =	vmov s19;
	v5 =	vld.idx.msk [tilespmem:v7+s16+$0x0], $0xffff  }
0x1ae: {  	v7 =	vshll.u32 v6, $0x4;
	v4 =	vadd.s32 v3, v4  }
0x1af: {  	v7 =	vor.u32 v0, v7;
	_ =	sdelay $0x3  }
0x1b0: {  	s19 =	sadd.s32 $0xFFFFFFFD, s17;
	[tilespmem:v4+s13+$0x0] =	vst.idx.msk $0xffff, v5;
	v4 =	vmul.u32 $0x18, v6  }
0x1b1: {  	v6 =	vmov s19;
	v5 =	vld.idx.msk [tilespmem:v7+s16+$0x0], $0xffff  }
0x1b2: {  	v7 =	vshll.u32 v6, $0x4;
	v4 =	vadd.s32 v3, v4  }
0x1b3: {  	v7 =	vor.u32 v0, v7;
	_ =	sdelay $0x3  }
0x1b4: {  	s19 =	sadd.s32 $0xFFFFFFFE, s17;
	[tilespmem:v4+s13+$0x0] =	vst.idx.msk $0xffff, v5;
	v4 =	vmul.u32 $0x18, v6  }
0x1b5: {  	v6 =	vmov s19;
	v5 =	vld.idx.msk [tilespmem:v7+s16+$0x0], $0xffff  }
0x1b6: {  	v7 =	vshll.u32 v6, $0x4;
	v4 =	vor.u32 v3, v4  }
0x1b7: {  	v7 =	vor.u32 v0, v7;
	_ =	sdelay $0x3  }
0x1b8: {  	s19 =	sadd.s32 $0xFFFFFFFF, s17;
	[tilespmem:v4+s13+$0x0] =	vst.idx.msk $0xffff, v5;
	v4 =	vmul.u32 $0x18, v6  }
0x1b9: {  	v6 =	vmov s19;
	v5 =	vld.idx.msk [tilespmem:v7+s16+$0x0], $0xffff  }
0x1ba: {  	v7 =	vshll.u32 v6, $0x4;
	v4 =	vadd.s32 v3, v4  }
0x1bb: {  	v7 =	vor.u32 v0, v7;
	_ =	sdelay $0x3  }
0x1bc: {  	[tilespmem:v4+s13+$0x0] =	vst.idx.msk $0xffff, v5;
	v4 =	vmul.u32 $0x18, v6  }
0x1bd: {  	v6 =	vmov s17;
	s17 =	smov.u32 s18;
	v5 =	vld.idx.msk [tilespmem:v7+s16+$0x0], $0xffff  }
0x1be: {  	v7 =	vadd.s32 v3, v4;
	v4 =	vshll.u32 v6, $0x4  }
.Ltmp0:
0x1bf: {  	v4 =	vor.u32 v0, v4;
	(pc) =	sbr.rel @p0 .LBB2_3-.Ltmp0, $2  }
0x1c0: {  	_ =	sdelay $0x2  }
0x1c1: {  	s18 =	sadd.s32 $0x8, s18;
	s19 =	sadd.s32 $0xFFFFFFF9, s17;
	[tilespmem:v7+s13+$0x0] =	vst.idx.msk $0xffff, v5;
	v5 =	vmul.u32 $0x18, v6  }
0x1c2: {  	_ =	sdelay $0x2  }
0x1c3: {  	v6 =	vmov s19  }
0x1c4: {  	v4 =	vld.idx.msk [tilespmem:v4+s16+$0x0], $0xffff;
	v7 =	vshll.u32 v6, $0x4;
	v5 =	vadd.s32 v3, v5  }
0x1c5: {  	v7 =	vor.u32 v0, v7;
	_ =	sdelay $0x2  }
0x1c6: {  	s18 =	sadd.s32 $0xFFFFFFFA, s17;
	v6 =	vmul.u32 $0x18, v6  }
0x1c7: {  	[tilespmem:v5+s13+$0x0] =	vst.idx.msk $0xffff, v4;
	v4 =	vmov s18  }
0x1c8: {  	v6 =	vor.u32 v3, v6;
	v5 =	vld.idx.msk [tilespmem:v7+s16+$0x0], $0xffff;
	v7 =	vshll.u32 v4, $0x4  }
0x1c9: {  	v7 =	vor.u32 v0, v7;
	_ =	sdelay $0x2  }
0x1ca: {  	s19 =	sadd.s32 $0xFFFFFFFB, s17;
	v4 =	vmul.u32 $0x18, v4  }
0x1cb: {  	[tilespmem:v6+s13+$0x0] =	vst.idx.msk $0xffff, v5;
	v5 =	vmov s19  }
0x1cc: {  	v4 =	vadd.s32 v3, v4;
	v6 =	vld.idx.msk [tilespmem:v7+s16+$0x0], $0xffff;
	v7 =	vshll.u32 v5, $0x4  }
0x1cd: {  	v7 =	vor.u32 v0, v7;
	_ =	sdelay $0x2  }
0x1ce: {  	s19 =	sadd.s32 $0xFFFFFFFC, s17;
	v5 =	vmul.u32 $0x18, v5  }
0x1cf: {  	[tilespmem:v4+s13+$0x0] =	vst.idx.msk $0xffff, v6;
	v4 =	vmov s19  }
0x1d0: {  	v5 =	vadd.s32 v3, v5;
	v6 =	vld.idx.msk [tilespmem:v7+s16+$0x0], $0xffff;
	v7 =	vshll.u32 v4, $0x4  }
0x1d1: {  	v7 =	vor.u32 v0, v7;
	_ =	sdelay $0x2  }
0x1d2: {  	s19 =	sadd.s32 $0xFFFFFFFD, s17;
	v4 =	vmul.u32 $0x18, v4  }
0x1d3: {  	[tilespmem:v5+s13+$0x0] =	vst.idx.msk $0xffff, v6;
	v5 =	vmov s19  }
0x1d4: {  	v4 =	vadd.s32 v3, v4;
	v6 =	vld.idx.msk [tilespmem:v7+s16+$0x0], $0xffff;
	v7 =	vshll.u32 v5, $0x4  }
0x1d5: {  	v7 =	vor.u32 v0, v7;
	_ =	sdelay $0x2  }
0x1d6: {  	s19 =	sadd.s32 $0xFFFFFFFE, s17;
	v5 =	vmul.u32 $0x18, v5  }
0x1d7: {  	[tilespmem:v4+s13+$0x0] =	vst.idx.msk $0xffff, v6;
	v4 =	vmov s19  }
0x1d8: {  	v5 =	vor.u32 v3, v5;
	v6 =	vld.idx.msk [tilespmem:v7+s16+$0x0], $0xffff;
	v7 =	vshll.u32 v4, $0x4  }
0x1d9: {  	v7 =	vor.u32 v0, v7;
	_ =	sdelay $0x2  }
0x1da: {  	s19 =	sadd.s32 $0xFFFFFFFF, s17;
	v4 =	vmul.u32 $0x18, v4  }
0x1db: {  	[tilespmem:v5+s13+$0x0] =	vst.idx.msk $0xffff, v6;
	v5 =	vmov s19  }
0x1dc: {  	v4 =	vadd.s32 v3, v4;
	v6 =	vld.idx.msk [tilespmem:v7+s16+$0x0], $0xffff;
	v7 =	vshll.u32 v5, $0x4  }
0x1dd: {  	v7 =	vor.u32 v0, v7;
	_ =	sdelay $0x2  }
0x1de: {  	v5 =	vmul.u32 $0x18, v5  }
0x1df: {  	[tilespmem:v4+s13+$0x0] =	vst.idx.msk $0xffff, v6;
	v4 =	vmov s17  }
0x1e0: {  	v5 =	vadd.s32 v3, v5;
	v6 =	vld.idx.msk [tilespmem:v7+s16+$0x0], $0xffff;
	v7 =	vshll.u32 v4, $0x4  }
0x1e1: {  	v7 =	vor.u32 v0, v7;
	_ =	sdelay $0x2  }
0x1e2: {  	v4 =	vmul.u32 $0x18, v4  }
0x1e3: {  	[tilespmem:v5+s13+$0x0] =	vst.idx.msk $0xffff, v6  }
0x1e4: {  	v3 =	vadd.s32 v3, v4;
	v5 =	vld.idx.msk [tilespmem:v7+s16+$0x0], $0xffff;
	_ =	sdelay $0x2  }
0x1e5: {  	s0 =	smul.u32 $0xB, s0;
	_ =	sdelay $0x1  }
0x1e6: {  	s19 =	sadd.s32 s6, s0;
	[tilespmem:v3+s13+$0x0] =	vst.idx.msk $0xffff, v5  }
0x1e7: {  	[hbm4b:s19+s31] =	stream.strided.scatter [tilespmem:s15], [sflag:$0x2], $0x8000, s1, s31, $0x38;
	[tilespmem:$0xDC00] =	vst v63  }
0x1e8: {  	s9 =	sadd.s32 $0x1, s9;
	_ =	swait.ge [sflag:s10], $0x8000  }
0x1e9: {  	p0 =	sne.s32 s9, $0x32;
	[sflag:s10] =	ssyncset.done $0x0  }
.Ltmp1:
0x1ea: {  	s0 =	sadd.s32 s0, s8;
	[sflag:s10] =	ssyncadd.s32 $0xFFFF8000;
	(pc) =	sbr.rel @p0 .LBB2_2-.Ltmp1, $4  }
0x1eb: {  	[hbm4b:s0+s3] =	stream.strided.scatter [tilespmem:s13], [sflag:$0x2], $0x3000, s1, s3, $0x38;
	[tilespmem:$0xDC00] =	vst v63  }
0x1ec: {  	_ =	swait.ge [sflag:s10], $0x3000  }
0x1ed: {  	[sflag:s10] =	ssyncset.done $0x0  }
0x1ee: {  	[sflag:s10] =	ssyncadd.s32 $0xFFFFD000  }
0x1ef: {  	s9 =	rddreg [dreg:$0x4]  }
0x1f0: {  	s0 =	rddreg [dreg:$0x3];
	s9 =	sadd.s32 $0x1, s9  }
0x1f1: {  	p0 =	sne.s32 s9, s0  }
.Ltmp2:
0x1f2: {  	_ = 	snop;
	(pc) =	sbr.rel @p0 .LBB2_1-.Ltmp2, $1  }
0x1f3: {  	_ =	sdelay $0x3  }
0x1f4: {  	_ =	sfence.sel $0x180000  }
0x1f5: {  	[bflag:$0x0] =	sbarrier.arrive $0xFFFF  }
0x1f6: {  	_ =	strace $0x90000047  }
0x1f7: {  	s0 =	stileid.u32;
	[bflag:$0x2] =	sbarrier.arrive $0xFFFF  }
0x1f8: {  	p0 =	sne.s32 s0, $0x0;
	s0 =	rddreg [dreg:$0x2]  }
0x1f9: {  	s0 =	sadd.s32 @!p0 $0x100000, s0  }
0x1fa: {  	[sflag:s0] =	ssyncadd.tile.s32 @!p0 $0x1;
	_ =	shalt  }
.Lfunc_end2:
_tile_overlayer_lowered:
.L_overlay_start_2:
0x1fb: {  	(tag) =	ssettag $0x2  }
0x1fc: {  	s0 =	rddreg [dreg:$0x0];
	s2 =	stileid.u32  }
0x1fd: {  	s1 =	rddreg [dreg:$0x1];
	p0 =	sne.s32 s2, $0x0  }
0x1fe: {  	s3 =	rddreg [dreg:$0x2];
	[bflag:$0x3] =	sbarrier.arrive $0xFFFF;
	s2 =	simm.s32 @!p0 $0x1C02  }
0x1ff: {  	[timem:s3], [sflag:s2] =	dma.local @!p0 [hbm:s0], s1  }
0x200: {  	s0 =	simm.s32 @!p0 $0x2  }
0x201: {  	_ =	swait.ge @!p0 [sflag:s0], s1  }
0x202: {  	s1 =	ssub.s32 @!p0 $0x0, s1;
	[sflag:s0] =	ssyncset.done @!p0 $0x0  }
0x203: {  	[sflag:s0] =	ssyncadd.s32 @!p0 s1  }
0x204: {  	[bflag:$0x3] =	sbarrier.arrive $0xFFFF  }
0x205: {  	_ =	shalt  }

// kernel: sparse-core-data-format-call.cloned.1.call-start
scs
called_computation_lowered:
.L_overlay_start_0:
0x0: {  	s2 =	sld [smem:$0x3FD9]  }
0x1: {  	s3 =	sld [smem:$0x3FFE];
	_ =	sdelay $0x1  }
0x2: {  	s1 =	srdreg.scid  }
0x3: {  	s0 =	sand.u32 $0x1, s1  }
0x4: {  	s18 =	sshll.u32 s0, $0xA;
	s2 =	sadd.s32 s3, s2  }
0x5: {  	s2 =	sadd.s32 s2, s18  }
0x6: {  	[smem:$0x3FC5] =	sst s2  }
0x7: {  	_ = 	snop  }
0x8: {  	s2 =	sld [smem:$0x3FD0];
	(tm) =	ssettm $0x1  }
0x9: {  	s19 =	sld [smem:$0x3FFB];
	_ =	sdelay $0x3  }
0xa: {  	_ =	strace s19  }
0xb: {  	s3 =	sld [smem:$0x3FFC];
	_ =	sdelay $0x3  }
0xc: {  	_ =	strace s3  }
0xd: {  	s3 =	sld [smem:$0x3FFD];
	_ =	sdelay $0x3  }
0xe: {  	_ =	strace s3  }
0xf: {  	_ =	strace $0x8FFFFFFF  }
0x10: {  	s20 =	sld [smem:$0x3FDB];
	_ =	sdelay $0x1  }
0x11: {  	s4 =	simm.s32 $_scs_section_size  }
0x12: {  	s5 =	simm.s32 $_size__tile_overlayer_lowered;
	s6 =	simm.s32 $_tile_overlayer_lowered  }
0x13: {  	s23 =	simm.s32 $0x1BFF;
	s22 =	sshll.u32 s6, $0x1;
	s3 =	sadd.s32 s4, s20  }
0x14: {  	s7 =	simm.s32 $0x0;
	s21 =	sshll.u32 s5, $0x1;
	s5 =	sadd.s32 s22, s3  }
0x15: {  	[timem:s7], [sflag:s23] =	dma.local [hbm:s5], s21  }
0x16: {  	_ =	swait.ge [sflag:s23], s21  }
0x17: {  	s4 =	ssub.s32 $0x0, s21;
	[sflag:s23] =	ssyncset.done $0x0  }
0x18: {  	[sflag:s23] =	ssyncadd.s32 s4;
	_ =	sdelay $0x1  }
0x19: {  	s24 =	simm.s32 $0x1B8B  }
0x1a: {  	_ =	swait.ge [sflag:s24], $0x1  }
0x1b: {  	[sflag:s24] =	ssyncset.done $0x0  }
0x1c: {  	s26 =	simm.s32 $0x1B8E;
	s25 =	sld [smem:$0x3FFE];
	[sflag:s24] =	ssyncadd.s32 $0xFFFFFFFF  }
0x1d: {  	s27 =	simm.s32 $execute0_lowered;
	[smem:$0x3FD2] =	sst s26  }
0x1e: {  	s5 =	sshll.u32 s27, $0x1;
	_ =	strace $0x80000049;
	[dreg:$0x1] =	wrdreg $0xFFFFFFFF  }
0x1f: {  	s28 =	simm.s32 $_size_execute0_lowered;
	s3 =	sadd.s32 s3, s5;
	[dreg:$0x0] =	wrdreg $0x0  }
0x20: {  	s5 =	sshll.u32 s28, $0x1;
	[dreg:$0x2] =	wrdreg s3  }
0x21: {  	[dreg:$0x3] =	wrdreg s5  }
0x22: {  	[dreg:$0x4] =	wrdreg $0xC0  }
0x23: {  	_ =	task [dreg:s7], $0x5FFFF  }
0x24: {  	[dreg:$0x1] =	wrdreg $0xFFFFFFFF  }
0x25: {  	[dreg:$0x0] =	wrdreg $0x60  }
0x26: {  	[dreg:$0x2] =	wrdreg s25  }
0x27: {  	[dreg:$0x3] =	wrdreg s2  }
0x28: {  	[dreg:$0x4] =	wrdreg $0x9  }
0x29: {  	_ =	task.clear_ibuf [dreg:s7], $0x5FFFF;
	_ =	strace $0x90000049  }
0x2a: {  	s29 =	simm.s32 $0x9;
	_ =	strace $0x8000004B  }
0x2b: {  	_ =	swait.ge [sflag:s29], $0x1  }
0x2c: {  	[sflag:s29] =	ssyncadd.s32 $0xFFFFFFFF  }
0x2d: {  	_ =	strace $0x9000004B  }
0x2e: {  	_ =	sfence  }
0x2f: {  	s30 =	sld [smem:$0x0];
	_ =	sdelay $0x2  }
0x30: {  	s31 =	sshll.u32 s1, $0xD;
	s1 =	sshrl.u32 s1, $0x2  }
0x31: {  	s3 =	sand.u32 $0x4000, s31;
	s1 =	sadd.s32 s1, s30  }
0x32: {  	s0 =	sor.u32 s3, s0;
	s1 =	sshll.u32 s1, $0x11  }
0x33: {  	s0 =	sor.u32 s1, s0  }
0x34: {  	s0 =	sadd.s32 $0x8F2B, s0  }
0x35: {  	[sflag:s0] =	ssyncadd.remote.s32 $0x1  }
0x36: {  	_ =	sfence.sel $0xFFFF  }
0x37: {  	[dreg:$0x0] =	wrdreg $0xFFFFFFFF;
	(pc) =	sbr.abs _section_cstart, $3  }
0x38: {  	[dreg:$0x1] =	wrdreg $0xFFFFFFFF  }
0x39: {  	_ =	task.clear_ibuf [dreg:s7], $0x2FFFF;
	_ =	strace $0x9FFFFFFF  }
0x3a: {  	(tm) =	ssettm $0x7FFFFFFF  }
0x3b: {  	_ =	shalt  }
tec
execute0_lowered:
.L_overlay_start_1:
0x0: {  	(tag) =	ssettag $0x1  }
0x1: {  	s0 =	srdreg.scid  }
0x2: {  	s1 =	sshll.u32 s0, $0x4  }
0x3: {  	s6 =	rddreg [dreg:$0x0];
	s0 =	stileid.u32;
	s1 =	sand.u32 $0x10, s1  }
0x4: {  	s3 =	rddreg [dreg:$0x1];
	s1 =	sor.u32 s0, s1  }
0x5: {  	s5 =	simm.s32 $0x1;
	s31 =	simm.s32 $0x2;
	s2 =	sshll.u32 s1, $0x7  }
0x6: {  	s15 =	simm.s32 $0x0;
	s8 =	simm.s32 $0xC8000;
	s4 =	ssub.s32 $0x1000, s2  }
0x7: {  	s14 =	simm.s32 $0x0;
	s9 =	simm.s32 $0x0;
	s30 =	sand.u32 $0xF80, s4  }
0x8: {  	s10 =	simm.s32 $0x0;
	s11 =	simm.s32 $0x0;
	p0 =	sne.s32 s30, $0x0  }
.Ltmp0:
0x9: {  	s7 =	sshrl.u32 s4, $0xC;
	s5 =	simm.s32 @!p0 $0x0;
	(pc) =	sbr.rel .LBB1_1-.Ltmp0, $4  }
0xa: {  	s13 =	simm.s32 $0x0;
	s1 =	rddreg [dreg:$0x2];
	s5 =	sadd.s32 s5, s7  }
0xb: {  	_ =	strace $0x8000004A;
	s4 =	simm.s32 $0x1;
	s5 =	smul.u32 $0xC8, s5  }
0xc: {  	s6 =	sadd.s32 $0x98DE00, s6;
	s12 =	smov.u32 s2;
	[sflag:s4] =	ssyncpa.u1 $0x0  }
0xd: {  	[sflag:s31] =	ssyncpa.u1 $0x0;
	p0 =	por $0x0, $0x0;
	s7 =	sor.u32 $0x1, s5  }
.LBB1_4:
0xe: {  	s20 =	sshra.s32 s20, $0x2;
	s27 =	sshll.u32 s9, $0xC  }
0xf: {  	s21 =	sand.u32 $0x78, s10;
	s22 =	sshll.u32 s10, $0x3;
	s24 =	sshll.u32 s9, $0x7  }
0x10: {  	p1 =	sgt.s32 s9, $0xC7;
	s30 =	sshra.s32 s9, $0x1F;
	s25 =	sshra.s32 s10, $0x1F  }
0x11: {  	s19 =	sadd.s32 s20, s19;
	s20 =	sand.u32 $0xFFFF8000, s27;
	s23 =	sand.u32 $0xFFFFFC00, s22  }
0x12: {  	v5 =	vld [tilespmem:s17+$0xFFFFFFD0];
	[tilespmem:s18+$0x2040 ss:$0x81] =	vst.msk $0xffff, v4;
	s22 =	sand.u32 $0xC00, s22;
	s28 =	sand.u32 $0x380, s24;
	s31 =	sand.u32 s30, s9  }
0x13: {  	v58 =	vld [tilespmem:s17+$0xFFFFFFE0];
	[tilespmem:s18+$0x2850 ss:$0x81] =	vst.msk $0xffff, v3;
	s24 =	smov.u32 s10;
	s25 =	sand.u32 s25, s10;
	s20 =	sadd.s32 s23, s20  }
0x14: {  	v59 =	vld [tilespmem:s17+$0xFFFFFFF0];
	[tilespmem:s18+$0x3060 ss:$0x81] =	vst.msk $0xffff, v2;
	s21 =	sor.u32 s21, s22;
	s22 =	smov.u32 s9;
	s20 =	sshrl.u32 s20, $0xC  }
0x15: {  	v60 =	vld [tilespmem:s17+$0x0];
	[tilespmem:s18+$0x0 ss:$0x81] =	vst.msk $0xffff, v1;
	s22 =	simm.s32 @!p1 $0xC7;
	p1 =	sgt.s32 s10, $0xF80;
	s29 =	smulhi.u32 $0x147AE15, s20  }
0x16: {  	v61 =	vld [tilespmem:s17+$0x10];
	[tilespmem:s19+$0x3870 ss:$0x81] =	vst.msk $0xffff, v0;
	s21 =	sor.u32 s28, s21;
	s18 =	ssub.s32 s22, s31;
	s24 =	simm.s32 @!p1 $0xF80  }
0x17: {  	v62 =	vld [tilespmem:s17+$0x20];
	[tilespmem:s19+$0x810 ss:$0x81] =	vst.msk $0xffff, v5;
	s22 =	ssub.s32 s24, s25;
	s26 =	ssub.s32 $0xC8, s18;
	s23 =	smul.u32 $0xC8, s29  }
0x18: {  	v63 =	vld [tilespmem:s17+$0xFFFFFFC0];
	[tilespmem:s19+$0x1020 ss:$0x81] =	vst.msk $0xffff, v58;
	s27 =	sadd.s32 $0xFFFFFF39, s18;
	s18 =	smul.u32 $0x52, s26;
	s28 =	sadd.s32 $0xFFFFF080, s22  }
0x19: {  	[tilespmem:s19+$0x1830 ss:$0x81] =	vst.msk $0xffff, v59;
	p1 =	sgt.s32 s27, $0x0;
	s17 =	ssub.s32 $0x1000, s22;
	p2 =	sgt.s32 s28, $0x7F  }
0x1a: {  	s30 =	sand.u32 $0x7, s10;
	[tilespmem:s19+$0x2040 ss:$0x81] =	vst.msk $0xffff, v60;
	s18 =	simm.s32 @p1 $0x0;
	s17 =	simm.s32 @p2 $0x0  }
0x1b: {  	[tilespmem:s19+$0x2850 ss:$0x81] =	vst.msk $0xffff, v61;
	s29 =	sshrl.u32 s21, $0x3;
	s20 =	ssub.s32 s20, s23;
	s17 =	smul.u32 s17, s18  }
0x1c: {  	[tilespmem:s19+$0x3060 ss:$0x81] =	vst.msk $0xffff, v62;
	s21 =	sshll.u32 s30, $0x12;
	s20 =	sshll.u32 s20, $0x9;
	s18 =	sadd.s32 s3, s29  }
0x1d: {  	[tilespmem:s19+$0x0 ss:$0x81] =	vst.msk $0xffff, v63;
	s31 =	sor.u32 $0x80, s21;
	s18 =	sadd.s32 s20, s18;
	s17 =	sand.u32 $0x3FFFFFFE, s17  }
0x1e: {  	[hbm4b:s18+s31] =	stream.strided.scatter [tilespmem:s16], [sflag:$0x2], s17, s8, s31, $0x20;
	[tilespmem:$0x10100] =	vst v63  }
.LBB1_5:
0x1f: {  	p1 =	slt.u32 s13, $0x2  }
0x20: {  	s17 =	smov.u32 s15;
	p2 =	sgt.s32 @!p1 s15, $0xC7;
	s16 =	sshra.s32 @!p1 s15, $0x1F  }
0x21: {  	p3 =	sgt.s32 @!p1 s14, $0xF80;
	s18 =	sshra.s32 @!p1 s14, $0x1F;
	p2 =	por !p2, p1  }
0x22: {  	s15 =	sand.u32 @!p1 s16, s15;
	p3 =	por !p3, p1;
	s16 =	smov.u32 s14  }
0x23: {  	s14 =	sand.u32 @!p1 s18, s14;
	s17 =	simm.s32 @p2 $0xC7;
	s16 =	simm.s32 @p3 $0xF80  }
0x24: {  	s18 =	smov.u32 s12;
	s15 =	ssub.s32 @!p1 s17, s15;
	s14 =	ssub.s32 @!p1 s16, s14  }
0x25: {  	s16 =	sadd.s32 @!p1 $0xFFFFFF39, s15;
	s15 =	ssub.s32 @!p1 $0xC8, s15;
	s17 =	sadd.s32 @!p1 $0xFFFFF080, s14  }
0x26: {  	p2 =	sgt.s32 @!p1 s16, $0x0;
	s15 =	smul.u32 @!p1 $0x52, s15;
	p3 =	sgt.s32 @!p1 s17, $0x7F  }
0x27: {  	s14 =	ssub.s32 @!p1 $0x1000, s14;
	p2 =	por !p2, p1;
	p3 =	por !p3, p1  }
0x28: {  	s16 =	sadd.s32 $0x1, s11;
	s15 =	simm.s32 @!p2 $0x0;
	s14 =	simm.s32 @!p3 $0x0  }
0x29: {  	p2 =	sgt.s32 s16, $0xC7;
	s14 =	smul.u32 @!p1 s14, s15;
	s15 =	sadd.s32 $0x1000, s12  }
0x2a: {  	s18 =	smov.u32 @p2 s15  }
0x2b: {  	s16 =	simm.s32 @p2 $0x0;
	p2 =	sgt.s32 s18, $0xFFF  }
0x2c: {  	s18 =	smov.u32 @p2 s2;
	p2 =	sne.s32 s13, s7  }
.Ltmp1:
0x2d: {  	p0 =	por !p0, !p0;
	s17 =	simm.s32 @!p1 $0x2;
	(pc) =	sbr.rel @!p2 .LBB1_6-.Ltmp1, $4  }
0x2e: {  	s15 =	smov.u32 s9;
	s9 =	smov.u32 s11;
	s14 =	sand.u32 @!p1 $0x3FFFFFFE, s14  }
0x2f: {  	s11 =	smov.u32 s16;
	_ =	swait.ge @!p1 [sflag:s17], s14;
	s19 =	ssub.s32 @!p1 $0x0, s14  }
0x30: {  	s14 =	smov.u32 s10;
	s13 =	sadd.s32 $0x1, s13;
	[sflag:s17] =	ssyncset.done @!p1 $0x0  }
0x31: {  	s10 =	smov.u32 s12;
	s12 =	smov.u32 s18;
	[sflag:s17] =	ssyncadd.s32 @!p1 s19  }
.LBB1_1:
0x32: {  	p1 =	sge.u32 s13, s5  }
0x33: {  	s16 =	sand.u32 @!p1 $0x1FFFFFF, s11  }
0x34: {  	s17 =	smulhi.u32 @!p1 $0x147AE15, s16;
	_ =	sdelay $0x1  }
0x35: {  	s17 =	smul.u32 @!p1 $0xC8, s17  }
0x36: {  	s18 =	sxor.u32 @!p1 $0xFFFFFFFF, s13;
	s19 =	smul.u32 @!p1 $0xC80, s12  }
0x37: {  	s31 =	sadd.s32 $0xFFFFFFFF, s13;
	s18 =	sshll.u32 @!p1 s18, $0xE;
	s16 =	ssub.s32 @!p1 s16, s17  }
0x38: {  	s17 =	sand.u32 @!p1 $0x4000, s18;
	s18 =	sadd.s32 @!p1 s6, s19;
	s16 =	sshll.u32 @!p1 s16, $0x4  }
0x39: {  	s19 =	simm.s32 @!p1 $0x6400;
	s16 =	sadd.s32 @!p1 s16, s18;
	s18 =	simm.s32 @!p1 $0x80  }
0x3a: {  	[tilespmem:s17], [sflag:$0x1] =	stream.strided.gather @!p1 [hbm4b:s16+s18], $0x4000, s19, s18, $0x38;
	[tilespmem:$0x10100] =	vst v63  }
0x3b: {  	p1 =	sge.u32 s31, s5  }
.Ltmp2:
0x3c: {  	_ = 	snop;
	(pc) =	sbr.rel @p1 .LBB1_5-.Ltmp2, $1  }
0x3d: {  	_ =	sdelay $0x3  }
0x3e: {  	s16 =	simm.s32 $0x1  }
0x3f: {  	_ =	swait.ge [sflag:s4], $0x4000;
	s16 =	simm.s32 @!p0 $0x0  }
0x40: {  	[sflag:s4] =	ssyncset.done $0x0;
	s17 =	sshll.u32 s16, $0xE  }
0x41: {  	[sflag:s4] =	ssyncadd.s32 $0xFFFFC000;
	s17 =	sor.u32 $0x40, s17  }
0x42: {  	s16 =	smul.u32 $0x10200, s16;
	v0 =	vld [tilespmem:s17+$0x30]  }
0x43: {  	v1 =	vld [tilespmem:s17+$0xFFFFFFD0]  }
0x44: {  	s16 =	sshrl.u32 s16, $0x2;
	v5 =	vld [tilespmem:s17+$0xFFFFFFE0]  }
0x45: {  	v6 =	vld [tilespmem:s17+$0xFFFFFFF0];
	s19 =	sor.u32 $0x8000, s16  }
0x46: {  	s31 =	sand.u32 $0x1, s13;
	v4 =	vld [tilespmem:s17+$0x0];
	s18 =	sadd.s32 $0x0, s19  }
0x47: {  	v3 =	vld [tilespmem:s17+$0x10];
	s16 =	smul.u32 $0x10200, s31;
	[tilespmem:s18+$0x3870 ss:$0x81] =	vst.msk $0xffff, v0  }
0x48: {  	v2 =	vld [tilespmem:s17+$0x20];
	[tilespmem:s18+$0x810 ss:$0x81] =	vst.msk $0xffff, v1  }
0x49: {  	s16 =	sshrl.u32 s16, $0x2;
	v1 =	vld [tilespmem:s17+$0xFFFFFFC0];
	[tilespmem:s18+$0x1020 ss:$0x81] =	vst.msk $0xffff, v5;
	s17 =	sadd.s32 $0x80, s17  }
0x4a: {  	s20 =	simm.s32 $0x4;
	s21 =	simm.s32 $0x8;
	s16 =	sor.u32 $0x8000, s16;
	[tilespmem:s18+$0x1830 ss:$0x81] =	vst.msk $0xffff, v6;
	v0 =	vld [tilespmem:s17+$0x30]  }
.LBB1_3:
0x4b: {  	p1 =	sne.s32 s21, $0x1FC;
	v5 =	vld [tilespmem:s17+$0xFFFFFFD0];
	[tilespmem:s18+$0x2040 ss:$0x81] =	vst.msk $0xffff, v4  }
0x4c: {  	v6 =	vld [tilespmem:s17+$0xFFFFFFE0];
	[tilespmem:s18+$0x2850 ss:$0x81] =	vst.msk $0xffff, v3  }
0x4d: {  	s22 =	sshra.s32 s20, $0x2;
	s20 =	smov.u32 s21;
	v7 =	vld [tilespmem:s17+$0xFFFFFFF0];
	[tilespmem:s18+$0x3060 ss:$0x81] =	vst.msk $0xffff, v2  }
.Ltmp3:
0x4e: {  	v4 =	vld [tilespmem:s17+$0x0];
	[tilespmem:s18+$0x0 ss:$0x81] =	vst.msk $0xffff, v1;
	s18 =	sadd.s32 s22, s19;
	(pc) =	sbr.rel @p1 .LBB1_3-.Ltmp3, $4  }
0x4f: {  	v3 =	vld [tilespmem:s17+$0x10];
	[tilespmem:s18+$0x3870 ss:$0x81] =	vst.msk $0xffff, v0  }
0x50: {  	[tilespmem:s18+$0x810 ss:$0x81] =	vst.msk $0xffff, v5;
	v2 =	vld [tilespmem:s17+$0x20]  }
0x51: {  	v1 =	vld [tilespmem:s17+$0xFFFFFFC0];
	[tilespmem:s18+$0x1020 ss:$0x81] =	vst.msk $0xffff, v6;
	s17 =	sadd.s32 $0x80, s17  }
0x52: {  	s21 =	sadd.s32 $0x4, s21;
	v0 =	vld [tilespmem:s17+$0x30];
	[tilespmem:s18+$0x1830 ss:$0x81] =	vst.msk $0xffff, v7  }
.Ltmp4:
0x53: {  	_ = 	snop;
	(pc) =	sbr.rel .LBB1_4-.Ltmp4, $1  }
0x54: {  	_ =	sdelay $0x3  }
.LBB1_6:
0x55: {  	_ =	sfence.sel $0x180000  }
0x56: {  	s2 =	simm.s32 $0x1;
	[bflag:$0x0] =	sbarrier.arrive $0xFFFF  }
0x57: {  	s31 =	simm.s32 $0x2;
	[sflag:s2] =	ssyncpa.u1 $0x1  }
0x58: {  	[sflag:s31] =	ssyncpa.u1 $0x1  }
0x59: {  	p0 =	sne.s32 s0, $0x0;
	_ =	strace $0x9000004A  }
0x5a: {  	s0 =	sadd.s32 @!p0 $0x100000, s1;
	[bflag:$0x2] =	sbarrier.arrive $0xFFFF  }
0x5b: {  	[sflag:s0] =	ssyncadd.tile.s32 @!p0 $0x1;
	_ =	shalt  }
.Lfunc_end1:
_tile_overlayer_lowered:
.L_overlay_start_2:
0x5c: {  	(tag) =	ssettag $0x2  }
0x5d: {  	s0 =	rddreg [dreg:$0x0];
	s2 =	stileid.u32  }
0x5e: {  	s1 =	rddreg [dreg:$0x1];
	p0 =	sne.s32 s2, $0x0  }
0x5f: {  	s3 =	rddreg [dreg:$0x2];
	[bflag:$0x3] =	sbarrier.arrive $0xFFFF;
	s2 =	simm.s32 @!p0 $0x1C01  }
0x60: {  	[timem:s3], [sflag:s2] =	dma.local @!p0 [hbm:s0], s1  }
0x61: {  	s0 =	simm.s32 @!p0 $0x1  }
0x62: {  	_ =	swait.ge @!p0 [sflag:s0], s1  }
0x63: {  	s1 =	ssub.s32 @!p0 $0x0, s1;
	[sflag:s0] =	ssyncset.done @!p0 $0x0  }
0x64: {  	[sflag:s0] =	ssyncadd.s32 @!p0 s1  }
0x65: {  	[bflag:$0x3] =	sbarrier.arrive $0xFFFF  }
0x66: {  	_ =	shalt  }

</sc_bundles>
